<compile_context>
chip_gen: v7x
topology: tpu7x:2x2x1
jax: 0.10.2.dev20260603
libtpu: 0.0.44.dev20260713+nightly
codegen_flags: <defaults>
</compile_context>

<pallas_src>
import functools

import jax
import jax.numpy as jnp
from jax import lax
from jax.experimental import pallas as pl
from jax.experimental.pallas import tpu as pltpu
from jax.experimental.pallas import tpu_sc as plsc

NC = 2
NS = 16
NW = NC * NS
PB = 16


def _sc_pair_gather(x, ptab, v, nb):
  bsz, seq = x.shape
  w = ptab.shape[1]
  nblk = (seq + PB - 1) // PB
  chunk = nb * (PB // 2)
  n = nblk * bsz * (PB // 2)
  bpw = (bsz // nb) // NW
  iters_w = bpw * nblk
  nh = iters_w // 2

  mesh = plsc.VectorSubcoreMesh(core_axis_name="c", subcore_axis_name="s")

  @functools.partial(
      pl.kernel,
      mesh=mesh,
      out_type=jax.ShapeDtypeStruct((n, w), jnp.int32),
      compiler_params=pltpu.CompilerParams(use_tc_tiling_on_sc=False),
      scratch_types=[
          pltpu.VMEM((nb, PB), jnp.int32),
          pltpu.VMEM((nb, PB), jnp.int32),
          pltpu.VMEM((nb * PB + 8,), jnp.int32),
          pltpu.VMEM((nb * PB + 8,), jnp.int32),
          pltpu.VMEM((chunk + 8,), jnp.int32),
          pltpu.VMEM((chunk + 8,), jnp.int32),
          pltpu.VMEM((chunk, w), jnp.int32),
          pltpu.VMEM((chunk, w), jnp.int32),
          pltpu.VMEM_SHARED(ptab.shape, jnp.int32),
          pltpu.SemaphoreType.DMA,
          pltpu.SemaphoreType.DMA,
          pltpu.SemaphoreType.DMA,
          pltpu.SemaphoreType.DMA,
          pltpu.SemaphoreType.DMA,
          pltpu.SemaphoreType.DMA,
      ],
  )
  def k(x_hbm, ptab_hbm, out_hbm,
        xb0, xb1, xf0, xf1, px0, px1, r0, r1, tab,
        xsem0, xsem1, gsem0, gsem1, osem0, osem1):
    wid = lax.axis_index("s") * NC + lax.axis_index("c")
    @pl.when(lax.axis_index("s") == 0)
    def _():
      pltpu.sync_copy(ptab_hbm, tab)

    plsc.subcore_barrier()

    def coords(j):
      bb = j // nblk
      blk = j % nblk
      b0 = (wid * bpw + bb) * nb
      p0 = jnp.minimum(blk * PB, seq - PB)
      return b0, blk, p0

    def xs(j):
      b0, blk, p0 = coords(j)
      return x_hbm.at[pl.ds(b0, nb), pl.ds(p0, PB)]

    def outref(j):
      b0, blk, p0 = coords(j)
      return out_hbm.at[pl.ds(blk * (bsz * (PB // 2)) + b0 * (PB // 2),
                              chunk)]

    def build(xb, xf, px):
      def flat(q, carry):
        xf[pl.ds(q * PB, PB)] = xb[q]
        return carry
      lax.fori_loop(0, nb, flat, 0)

      def pairs(q, carry):
        a = xf[pl.ds(q * PB, PB)]
        b = xf[pl.ds(q * PB + PB // 2, PB)]
        px[pl.ds(q * (PB // 2), PB)] = a * v + b
        return carry
      lax.fori_loop(0, nb, pairs, 0)

    def px_sl(px):
      return px.at[pl.ds(0, chunk)]

    pltpu.async_copy(xs(0), xb0, xsem0)
    pltpu.async_copy(xs(1), xb1, xsem1)

    def halfstep(j, xb, xf, px, rows, xsem, gsem, osem, jj):
      pltpu.make_async_copy(xs(j), xb, xsem).wait()
      build(xb, xf, px)

      @pl.when(jj < nh - 1)
      def _():
        pltpu.async_copy(xs(j + 2), xb, xsem)

      @pl.when(jj > 0)
      def _():
        pltpu.make_async_copy(rows, outref(j), osem).wait()

      pltpu.async_copy(tab.at[px_sl(px)], rows, gsem)
      pltpu.make_async_copy(tab.at[px_sl(px)], rows, gsem).wait()
      pltpu.async_copy(rows, outref(j), osem)

    def step(jj, carry):
      a = 2 * jj
      halfstep(a, xb0, xf0, px0, r0, xsem0, gsem0, osem0, jj)
      halfstep(a + 1, xb1, xf1, px1, r1, xsem1, gsem1, osem1, jj)
      return carry

    lax.fori_loop(0, nh, step, 0)
    pltpu.make_async_copy(r0, outref(iters_w - 2), osem0).wait()
    pltpu.make_async_copy(r1, outref(iters_w - 1), osem1).wait()

  return k(x, ptab)


def _mlp_body(e_ref, w1l_ref, w1h_ref, b1_ref, w2_ref, b2_ref, w3_ref,
              b3_ref, o_ref):
  nblk = e_ref.shape[0]
  h = None
  for blk in range(nblk):
    wds = e_ref[blk]
    flo = lax.bitcast_convert_type(wds << 16, jnp.float32)
    flo = flo.astype(jnp.bfloat16)
    fhi = lax.bitcast_convert_type(wds & jnp.int32(-65536), jnp.float32)
    fhi = fhi.astype(jnp.bfloat16)
    acc = jnp.dot(flo, w1l_ref[blk], preferred_element_type=jnp.float32)
    acc = acc + jnp.dot(fhi, w1h_ref[blk], preferred_element_type=jnp.float32)
    h = acc if h is None else h + acc
  h = jnp.maximum(h + b1_ref[...], 0.0)
  h = jnp.dot(h, w2_ref[...], preferred_element_type=jnp.float32)
  h = jnp.maximum(h + b2_ref[...], 0.0)
  o = jnp.dot(h, w3_ref[...], preferred_element_type=jnp.float32)
  o_ref[...] = o + b3_ref[...]


def _tc_mlp(e5, W1l, W1h, b1, W2, b2, W3, b3, tb):
  nblk, bsz, lw = e5.shape
  h1 = W1l.shape[2]
  h2 = W2.shape[1]
  ncls = W3.shape[1]
  grid = (bsz // tb,)
  return pl.pallas_call(
      _mlp_body,
      grid=grid,
      in_specs=[
          pl.BlockSpec((nblk, tb, lw), lambda i: (0, i, 0)),
          pl.BlockSpec((nblk, lw, h1), lambda i: (0, 0, 0)),
          pl.BlockSpec((nblk, lw, h1), lambda i: (0, 0, 0)),
          pl.BlockSpec((1, h1), lambda i: (0, 0)),
          pl.BlockSpec((h1, h2), lambda i: (0, 0)),
          pl.BlockSpec((1, h2), lambda i: (0, 0)),
          pl.BlockSpec((h2, ncls), lambda i: (0, 0)),
          pl.BlockSpec((1, ncls), lambda i: (0, 0)),
      ],
      out_specs=pl.BlockSpec((tb, ncls), lambda i: (i, 0)),
      out_shape=jax.ShapeDtypeStruct((bsz, ncls), jnp.float32),
  )(e5, W1l, W1h, b1, W2, b2, W3, b3)


@jax.jit
def kernel(x, emb, W1, b1, W2, b2, W3, b3):
  b, s = x.shape
  v, d = emb.shape
  hd = d // 2
  nblk = (s + PB - 1) // PB
  h1 = W1.shape[1]

  perm = jnp.arange(d).reshape(2, hd).T.reshape(-1)
  embi = emb[:, perm].astype(jnp.bfloat16)
  ptab_bf = jnp.concatenate(
      [jnp.repeat(embi, v, axis=0), jnp.tile(embi, (v, 1))], axis=1)
  ptab = lax.bitcast_convert_type(
      ptab_bf.reshape(v * v, d, 2), jnp.int32)

  rows = _sc_pair_gather(x.astype(jnp.int32), ptab, v, nb=256)
  e5 = rows.reshape(nblk, b, 128)

  lane = jnp.arange(128)
  k = lane // 16
  hh = (lane % 16) // 8
  j = lane % 8
  p0s = jnp.minimum(jnp.arange(nblk) * PB, s - PB)
  pos = p0s[:, None] + k[None, :] + 8 * hh[None, :]
  w3d = W1.reshape(s, d, h1)
  jb = jnp.broadcast_to(j[None, :], pos.shape)
  W1l = w3d[pos, jb]
  W1h = w3d[pos, jb + hd]
  dup = (jnp.arange(nblk)[:, None] * PB > pos)
  W1l = jnp.where(dup[..., None], 0.0, W1l).astype(jnp.bfloat16)
  W1h = jnp.where(dup[..., None], 0.0, W1h).astype(jnp.bfloat16)

  return _tc_mlp(e5, W1l, W1h, b1.reshape(1, -1), W2, b2.reshape(1, -1),
                 W3, b3.reshape(1, -1), tb=1024)

# --- scband reference (transcript-rebuilt; emitter-appended) ---
"""Pipeline reference for scband-aiwaf-net-11776800326139 (READ-ONLY COPY).

The authoritative reference and input builder live on the scoring server;
editing this copy changes nothing except your own understanding.
"""

import jax, jax.numpy as jnp
import numpy as np

SEQ_LEN = 200
EMBED_DIM = 16
HIDDEN = [128, 64]
NUM_CLASS = 2
BATCH = 16384

def setup_inputs(seed: int = 0) -> dict:
    key = jax.random.key(seed)
    ks = jax.random.split(key, 8)
    x = jax.random.randint(ks[0], (BATCH, SEQ_LEN), 0, SEQ_LEN, dtype=jnp.int64 if jax.config.jax_enable_x64 else jnp.int32)
    emb = jax.random.normal(ks[1], (SEQ_LEN, EMBED_DIM), dtype=jnp.float32)
    fan1 = EMBED_DIM * SEQ_LEN
    W1 = jax.random.normal(ks[2], (fan1, HIDDEN[0]), dtype=jnp.float32) * (1.0 / np.sqrt(fan1))
    b1 = jnp.zeros((HIDDEN[0],), dtype=jnp.float32)
    W2 = jax.random.normal(ks[3], (HIDDEN[0], HIDDEN[1]), dtype=jnp.float32) * (1.0 / np.sqrt(HIDDEN[0]))
    b2 = jnp.zeros((HIDDEN[1],), dtype=jnp.float32)
    W3 = jax.random.normal(ks[4], (HIDDEN[1], NUM_CLASS), dtype=jnp.float32) * (1.0 / np.sqrt(HIDDEN[1]))
    b3 = jnp.zeros((NUM_CLASS,), dtype=jnp.float32)
    return {"x": x, "emb": emb, "W1": W1, "b1": b1, "W2": W2, "b2": b2, "W3": W3, "b3": b3}

def reference(x, emb, W1, b1, W2, b2, W3, b3):
    # embedding lookup (gather) then flatten
    e = jnp.take(emb, x, axis=0)               # [B, S, D]
    e = e.reshape(e.shape[0], -1)               # [B, S*D]
    h = jax.nn.relu(e @ W1 + b1)
    h = jax.nn.relu(h @ W2 + b2)
    out = h @ W3 + b3
    return out

if __name__ == "__main__":
    import jax
    _d = setup_inputs()
    print(jax.jit(kernel)(*tuple(_d.values())))

</pallas_src>

<mosaic_0001>
#map = affine_map<(d0, d1) -> (0, 0)>
module attributes {stable_mosaic.version = 14 : i64} {
  func.func @k(%arg0: i32, %arg1: i32, %arg2: memref<16384x200xi32, #tpu.memory_space<hbm>>, %arg3: memref<40000x16xi32, #tpu.memory_space<hbm>>, %arg4: memref<1703936x16xi32, #tpu.memory_space<hbm>>, %arg5: memref<256x16xi32, #tpu.memory_space<vmem>>, %arg6: memref<256x16xi32, #tpu.memory_space<vmem>>, %arg7: memref<4104xi32, #tpu.memory_space<vmem>>, %arg8: memref<4104xi32, #tpu.memory_space<vmem>>, %arg9: memref<2056xi32, #tpu.memory_space<vmem>>, %arg10: memref<2056xi32, #tpu.memory_space<vmem>>, %arg11: memref<2048x16xi32, #tpu.memory_space<vmem>>, %arg12: memref<2048x16xi32, #tpu.memory_space<vmem>>, %arg13: memref<40000x16xi32, #tpu.memory_space<vmem_shared>>, %arg14: memref<!tpu.dma_semaphore, #tpu.memory_space<semaphore_mem>>, %arg15: memref<!tpu.dma_semaphore, #tpu.memory_space<semaphore_mem>>, %arg16: memref<!tpu.dma_semaphore, #tpu.memory_space<semaphore_mem>>, %arg17: memref<!tpu.dma_semaphore, #tpu.memory_space<semaphore_mem>>, %arg18: memref<!tpu.dma_semaphore, #tpu.memory_space<semaphore_mem>>, %arg19: memref<!tpu.dma_semaphore, #tpu.memory_space<semaphore_mem>>) attributes {dimension_semantics = [#tpu.dimension_semantics<core_parallel>, #tpu.dimension_semantics<subcore_parallel>], iteration_bounds = array<i64: 2, 16>, scalar_prefetch = 0 : i64, scratch_operands = 15 : i64, tpu.core_type = #tpu.core_type<sc_vector_subcore>, window_params = [{transform_indices = #map}, {transform_indices = #map}, {transform_indices = #map}]} {
    %mul3A = arith.constant 2 : i32
    %mul3A_0 = arith.muli %arg1, %mul3A : i32
    %add3A = arith.addi %mul3A_0, %arg0 : i32
    %eq3A = arith.constant 0 : i32
    %eq3A_1 = arith.cmpi eq, %arg1, %eq3A : i32
    %convert_element_type3A = arith.extui %eq3A_1 : i1 to i32
    %cond3A = arith.constant 0 : i32
    %cond3A_2 = arith.cmpi ne, %convert_element_type3A, %cond3A : i32
    scf.if %cond3A_2 {
      "tpu.region"() ({
        %run_scoped3A = tpu.sem_alloc : memref<!tpu.dma_semaphore, #tpu.memory_space<semaphore_mem>>
        tpu.enqueue_dma source(%arg3 : memref<40000x16xi32, #tpu.memory_space<hbm>>) target(%arg13 : memref<40000x16xi32, #tpu.memory_space<vmem_shared>>) target_semaphore(%run_scoped3A : memref<!tpu.dma_semaphore, #tpu.memory_space<semaphore_mem>>)
        tpu.wait_dma2 semaphore(%run_scoped3A : memref<!tpu.dma_semaphore, #tpu.memory_space<semaphore_mem>>) src(%arg3 : memref<40000x16xi32, #tpu.memory_space<hbm>>) dst(%arg13 : memref<40000x16xi32, #tpu.memory_space<vmem_shared>>)
        tpu.yield
      }) : () -> ()
    } else {
    }
    %barrier3A = arith.constant 0 : index
    tpu.barrier barrier_id(%barrier3A)
    %mul3A_3 = arith.constant 2 : i32
    %mul3A_4 = arith.muli %add3A, %mul3A_3 : i32
    %add3A_5 = arith.constant 0 : i32
    %add3A_6 = arith.addi %mul3A_4, %add3A_5 : i32
    %mul3A_7 = arith.constant 256 : i32
    %mul3A_8 = arith.muli %add3A_6, %mul3A_7 : i32
    %min3A = arith.constant 0 : i32
    %min3A_9 = arith.constant 184 : i32
    %min3A_10 = arith.minsi %min3A, %min3A_9 : i32
    %dma_start3A = tpu.memref_slice %arg2[%mul3A_8, %min3A_10] : memref<16384x200xi32, #tpu.memory_space<hbm>> -> memref<256x16xi32, #tpu.memory_space<hbm>>
    %dma_start3A_11 = tpu.memref_slice %arg2[%mul3A_8, %min3A_10] : memref<16384x200xi32, #tpu.memory_space<hbm>> -> memref<256x16xi32, #tpu.memory_space<hbm>>
    tpu.enqueue_dma source(%dma_start3A_11 : memref<256x16xi32, #tpu.memory_space<hbm>>) target(%arg5 : memref<256x16xi32, #tpu.memory_space<vmem>>) target_semaphore(%arg14 : memref<!tpu.dma_semaphore, #tpu.memory_space<semaphore_mem>>)
    %mul3A_12 = arith.constant 2 : i32
    %mul3A_13 = arith.muli %add3A, %mul3A_12 : i32
    %add3A_14 = arith.constant 0 : i32
    %add3A_15 = arith.addi %mul3A_13, %add3A_14 : i32
    %mul3A_16 = arith.constant 256 : i32
    %mul3A_17 = arith.muli %add3A_15, %mul3A_16 : i32
    %min3A_18 = arith.constant 16 : i32
    %min3A_19 = arith.constant 184 : i32
    %min3A_20 = arith.minsi %min3A_18, %min3A_19 : i32
    %dma_start3A_21 = tpu.memref_slice %arg2[%mul3A_17, %min3A_20] : memref<16384x200xi32, #tpu.memory_space<hbm>> -> memref<256x16xi32, #tpu.memory_space<hbm>>
    %dma_start3A_22 = tpu.memref_slice %arg2[%mul3A_17, %min3A_20] : memref<16384x200xi32, #tpu.memory_space<hbm>> -> memref<256x16xi32, #tpu.memory_space<hbm>>
    tpu.enqueue_dma source(%dma_start3A_22 : memref<256x16xi32, #tpu.memory_space<hbm>>) target(%arg6 : memref<256x16xi32, #tpu.memory_space<vmem>>) target_semaphore(%arg15 : memref<!tpu.dma_semaphore, #tpu.memory_space<semaphore_mem>>)
    %scan3A = arith.constant 0 : i32
    %scan3A_23 = arith.constant 0 : i32
    %scan3A_24 = arith.constant 13 : i32
    %scan3A_25 = arith.addi %scan3A_23, %scan3A_24 : i32
    %scan3A_26 = arith.constant 1 : i32
    scf.for %scan3A_61 = %scan3A_23 to %scan3A_25 step %scan3A_26  : i32 {
      %mul3A_62 = arith.constant 2 : i32
      %mul3A_63 = arith.muli %mul3A_62, %scan3A_61 : i32
      %jit3A = arith.constant 13 : i32
      %div3A = arith.divsi %mul3A_63, %jit3A : i32
      %sign3A = arith.constant 0 : i32
      %sign3A_64 = arith.cmpi sgt, %mul3A_63, %sign3A : i32
      %sign3A_65 = arith.extui %sign3A_64 : i1 to i32
      %sign3A_66 = arith.constant 0 : i32
      %sign3A_67 = arith.cmpi slt, %mul3A_63, %sign3A_66 : i32
      %sign3A_68 = arith.extui %sign3A_67 : i1 to i32
      %sign3A_69 = arith.subi %sign3A_65, %sign3A_68 : i32
      %sign3A_70 = arith.constant 0 : i32
      %sign3A_71 = arith.cmpi sgt, %jit3A, %sign3A_70 : i32
      %sign3A_72 = arith.extui %sign3A_71 : i1 to i32
      %sign3A_73 = arith.constant 0 : i32
      %sign3A_74 = arith.cmpi slt, %jit3A, %sign3A_73 : i32
      %sign3A_75 = arith.extui %sign3A_74 : i1 to i32
      %sign3A_76 = arith.subi %sign3A_72, %sign3A_75 : i32
      %ne3A = arith.cmpi ne, %sign3A_69, %sign3A_76 : i32
      %rem3A = arith.remsi %mul3A_63, %jit3A : i32
      %ne3A_77 = arith.constant 0 : i32
      %ne3A_78 = arith.cmpi ne, %rem3A, %ne3A_77 : i32
      %and3A = arith.andi %ne3A, %ne3A_78 : i1
      %sub3A = arith.constant 1 : i32
      %sub3A_79 = arith.subi %div3A, %sub3A : i32
      %select_n3A = arith.select %and3A, %sub3A_79, %div3A : i32
      %jit3A_80 = arith.constant 13 : i32
      %eq3A_81 = arith.constant 0 : i32
      %eq3A_82 = arith.cmpi eq, %jit3A_80, %eq3A_81 : i32
      %jit3A_83 = arith.constant 1 : i32
      %select_n3A_84 = arith.select %eq3A_82, %jit3A_83, %jit3A_80 : i32
      %rem3A_85 = arith.remsi %mul3A_63, %select_n3A_84 : i32
      %ne3A_86 = arith.constant 0 : i32
      %ne3A_87 = arith.cmpi ne, %rem3A_85, %ne3A_86 : i32
      %lt3A = arith.constant 0 : i32
      %lt3A_88 = arith.cmpi slt, %rem3A_85, %lt3A : i32
      %lt3A_89 = arith.constant 0 : i32
      %lt3A_90 = arith.cmpi slt, %select_n3A_84, %lt3A_89 : i32
      %ne3A_91 = arith.xori %lt3A_88, %lt3A_90 : i1
      %and3A_92 = arith.andi %ne3A_91, %ne3A_87 : i1
      %add3A_93 = arith.addi %rem3A_85, %select_n3A_84 : i32
      %select_n3A_94 = arith.select %and3A_92, %add3A_93, %rem3A_85 : i32
      %mul3A_95 = arith.constant 2 : i32
      %mul3A_96 = arith.muli %add3A, %mul3A_95 : i32
      %add3A_97 = arith.addi %mul3A_96, %select_n3A : i32
      %mul3A_98 = arith.constant 256 : i32
      %mul3A_99 = arith.muli %add3A_97, %mul3A_98 : i32
      %mul3A_100 = arith.constant 16 : i32
      %mul3A_101 = arith.muli %select_n3A_94, %mul3A_100 : i32
      %min3A_102 = arith.constant 184 : i32
      %min3A_103 = arith.minsi %mul3A_101, %min3A_102 : i32
      %dma_wait3A_104 = tpu.memref_slice %arg2[%mul3A_99, %min3A_103] : memref<16384x200xi32, #tpu.memory_space<hbm>> -> memref<256x16xi32, #tpu.memory_space<hbm>>
      %dma_wait3A_105 = tpu.memref_slice %arg2[%mul3A_99, %min3A_103] : memref<16384x200xi32, #tpu.memory_space<hbm>> -> memref<256x16xi32, #tpu.memory_space<hbm>>
      tpu.wait_dma2 semaphore(%arg14 : memref<!tpu.dma_semaphore, #tpu.memory_space<semaphore_mem>>) src(%dma_wait3A_105 : memref<256x16xi32, #tpu.memory_space<hbm>>) dst(%arg5 : memref<256x16xi32, #tpu.memory_space<vmem>>)
      %scan3A_106 = arith.constant 0 : i32
      %scan3A_107 = arith.constant 0 : i32
      %scan3A_108 = arith.constant 256 : i32
      %scan3A_109 = arith.addi %scan3A_107, %scan3A_108 : i32
      %scan3A_110 = arith.constant 1 : i32
      scf.for %scan3A_338 = %scan3A_107 to %scan3A_109 step %scan3A_110  : i32 {
        %get3A = arith.index_cast %scan3A_338 : i32 to index
        %get3A_339 = arith.constant 0 : index
        %get3A_340 = tpu.vector_load %arg5[%get3A, %get3A_339] {strides = array<i32>} : memref<256x16xi32, #tpu.memory_space<vmem>>, vector<1x16xi32>,
        %get3A_341 = vector.shape_cast %get3A_340 : vector<1x16xi32> to vector<16xi32>
        %mul3A_342 = arith.constant 16 : i32
        %mul3A_343 = arith.muli %scan3A_338, %mul3A_342 : i32
        %swap3A = arith.index_cast %mul3A_343 : i32 to index
        %swap3A_344 = tpu.vector_load %arg7[%swap3A] {strides = array<i32>} : memref<4104xi32, #tpu.memory_space<vmem>>, vector<16xi32>,
        %swap3A_345 = vector.shape_cast %swap3A_344 : vector<16xi32> to vector<16xi32>
        %swap3A_346 = vector.shape_cast %get3A_341 : vector<16xi32> to vector<16xi32>
        tpu.vector_store %arg7[%swap3A], %swap3A_346 {strides = array<i32>} : memref<4104xi32, #tpu.memory_space<vmem>>, vector<16xi32>,
      }
      %scan3A_111 = arith.constant 256 : i32
      %scan3A_112 = arith.constant 0 : i32
      %scan3A_113 = arith.constant 0 : i32
      %scan3A_114 = arith.constant 256 : i32
      %scan3A_115 = arith.addi %scan3A_113, %scan3A_114 : i32
      %scan3A_116 = arith.constant 1 : i32
      scf.for %scan3A_338 = %scan3A_113 to %scan3A_115 step %scan3A_116  : i32 {
        %mul3A_339 = arith.constant 16 : i32
        %mul3A_340 = arith.muli %scan3A_338, %mul3A_339 : i32
        %get3A = arith.index_cast %mul3A_340 : i32 to index
        %get3A_341 = tpu.vector_load %arg7[%get3A] {strides = array<i32>} : memref<4104xi32, #tpu.memory_space<vmem>>, vector<16xi32>,
        %get3A_342 = vector.shape_cast %get3A_341 : vector<16xi32> to vector<16xi32>
        %mul3A_343 = arith.constant 16 : i32
        %mul3A_344 = arith.muli %scan3A_338, %mul3A_343 : i32
        %add3A_345 = arith.constant 8 : i32
        %add3A_346 = arith.addi %mul3A_344, %add3A_345 : i32
        %get3A_347 = arith.index_cast %add3A_346 : i32 to index
        %get3A_348 = tpu.vector_load %arg7[%get3A_347] {strides = array<i32>} : memref<4104xi32, #tpu.memory_space<vmem>>, vector<16xi32>,
        %get3A_349 = vector.shape_cast %get3A_348 : vector<16xi32> to vector<16xi32>
        %mul3A_350 = arith.constant 200 : i32
        %mul3A_351 = vector.broadcast %mul3A_350 : i32 to vector<16xi32>
        %mul3A_352 = arith.muli %get3A_342, %mul3A_351 : vector<16xi32>
        %add3A_353 = arith.addi %mul3A_352, %get3A_349 : vector<16xi32>
        %mul3A_354 = arith.constant 8 : i32
        %mul3A_355 = arith.muli %scan3A_338, %mul3A_354 : i32
        %swap3A = arith.index_cast %mul3A_355 : i32 to index
        %swap3A_356 = tpu.vector_load %arg9[%swap3A] {strides = array<i32>} : memref<2056xi32, #tpu.memory_space<vmem>>, vector<16xi32>,
        %swap3A_357 = vector.shape_cast %swap3A_356 : vector<16xi32> to vector<16xi32>
        %swap3A_358 = vector.shape_cast %add3A_353 : vector<16xi32> to vector<16xi32>
        tpu.vector_store %arg9[%swap3A], %swap3A_358 {strides = array<i32>} : memref<2056xi32, #tpu.memory_space<vmem>>, vector<16xi32>,
      }
      %scan3A_117 = arith.constant 256 : i32
      %lt3A_118 = arith.constant 12 : i32
      %lt3A_119 = arith.cmpi slt, %scan3A_61, %lt3A_118 : i32
      %convert_element_type3A_120 = arith.extui %lt3A_119 : i1 to i32
      %cond3A_121 = arith.constant 0 : i32
      %cond3A_122 = arith.cmpi ne, %convert_element_type3A_120, %cond3A_121 : i32
      scf.if %cond3A_122 {
        %add3A_338 = arith.constant 2 : i32
        %add3A_339 = arith.addi %mul3A_63, %add3A_338 : i32
        %jit3A_340 = arith.constant 13 : i32
        %div3A_341 = arith.divsi %add3A_339, %jit3A_340 : i32
        %sign3A_342 = arith.constant 0 : i32
        %sign3A_343 = arith.cmpi sgt, %add3A_339, %sign3A_342 : i32
        %sign3A_344 = arith.extui %sign3A_343 : i1 to i32
        %sign3A_345 = arith.constant 0 : i32
        %sign3A_346 = arith.cmpi slt, %add3A_339, %sign3A_345 : i32
        %sign3A_347 = arith.extui %sign3A_346 : i1 to i32
        %sign3A_348 = arith.subi %sign3A_344, %sign3A_347 : i32
        %sign3A_349 = arith.constant 0 : i32
        %sign3A_350 = arith.cmpi sgt, %jit3A_340, %sign3A_349 : i32
        %sign3A_351 = arith.extui %sign3A_350 : i1 to i32
        %sign3A_352 = arith.constant 0 : i32
        %sign3A_353 = arith.cmpi slt, %jit3A_340, %sign3A_352 : i32
        %sign3A_354 = arith.extui %sign3A_353 : i1 to i32
        %sign3A_355 = arith.subi %sign3A_351, %sign3A_354 : i32
        %ne3A_356 = arith.cmpi ne, %sign3A_348, %sign3A_355 : i32
        %rem3A_357 = arith.remsi %add3A_339, %jit3A_340 : i32
        %ne3A_358 = arith.constant 0 : i32
        %ne3A_359 = arith.cmpi ne, %rem3A_357, %ne3A_358 : i32
        %and3A_360 = arith.andi %ne3A_356, %ne3A_359 : i1
        %sub3A_361 = arith.constant 1 : i32
        %sub3A_362 = arith.subi %div3A_341, %sub3A_361 : i32
        %select_n3A_363 = arith.select %and3A_360, %sub3A_362, %div3A_341 : i32
        %jit3A_364 = arith.constant 13 : i32
        %eq3A_365 = arith.constant 0 : i32
        %eq3A_366 = arith.cmpi eq, %jit3A_364, %eq3A_365 : i32
        %jit3A_367 = arith.constant 1 : i32
        %select_n3A_368 = arith.select %eq3A_366, %jit3A_367, %jit3A_364 : i32
        %rem3A_369 = arith.remsi %add3A_339, %select_n3A_368 : i32
        %ne3A_370 = arith.constant 0 : i32
        %ne3A_371 = arith.cmpi ne, %rem3A_369, %ne3A_370 : i32
        %lt3A_372 = arith.constant 0 : i32
        %lt3A_373 = arith.cmpi slt, %rem3A_369, %lt3A_372 : i32
        %lt3A_374 = arith.constant 0 : i32
        %lt3A_375 = arith.cmpi slt, %select_n3A_368, %lt3A_374 : i32
        %ne3A_376 = arith.xori %lt3A_373, %lt3A_375 : i1
        %and3A_377 = arith.andi %ne3A_376, %ne3A_371 : i1
        %add3A_378 = arith.addi %rem3A_369, %select_n3A_368 : i32
        %select_n3A_379 = arith.select %and3A_377, %add3A_378, %rem3A_369 : i32
        %mul3A_380 = arith.constant 2 : i32
        %mul3A_381 = arith.muli %add3A, %mul3A_380 : i32
        %add3A_382 = arith.addi %mul3A_381, %select_n3A_363 : i32
        %mul3A_383 = arith.constant 256 : i32
        %mul3A_384 = arith.muli %add3A_382, %mul3A_383 : i32
        %mul3A_385 = arith.constant 16 : i32
        %mul3A_386 = arith.muli %select_n3A_379, %mul3A_385 : i32
        %min3A_387 = arith.constant 184 : i32
        %min3A_388 = arith.minsi %mul3A_386, %min3A_387 : i32
        %dma_start3A_389 = tpu.memref_slice %arg2[%mul3A_384, %min3A_388] : memref<16384x200xi32, #tpu.memory_space<hbm>> -> memref<256x16xi32, #tpu.memory_space<hbm>>
        %dma_start3A_390 = tpu.memref_slice %arg2[%mul3A_384, %min3A_388] : memref<16384x200xi32, #tpu.memory_space<hbm>> -> memref<256x16xi32, #tpu.memory_space<hbm>>
        tpu.enqueue_dma source(%dma_start3A_390 : memref<256x16xi32, #tpu.memory_space<hbm>>) target(%arg5 : memref<256x16xi32, #tpu.memory_space<vmem>>) target_semaphore(%arg14 : memref<!tpu.dma_semaphore, #tpu.memory_space<semaphore_mem>>)
      } else {
      }
      %gt3A = arith.constant 0 : i32
      %gt3A_123 = arith.cmpi sgt, %scan3A_61, %gt3A : i32
      %convert_element_type3A_124 = arith.extui %gt3A_123 : i1 to i32
      %cond3A_125 = arith.constant 0 : i32
      %cond3A_126 = arith.cmpi ne, %convert_element_type3A_124, %cond3A_125 : i32
      scf.if %cond3A_126 {
        %jit3A_338 = arith.constant 13 : i32
        %div3A_339 = arith.divsi %mul3A_63, %jit3A_338 : i32
        %sign3A_340 = arith.constant 0 : i32
        %sign3A_341 = arith.cmpi sgt, %mul3A_63, %sign3A_340 : i32
        %sign3A_342 = arith.extui %sign3A_341 : i1 to i32
        %sign3A_343 = arith.constant 0 : i32
        %sign3A_344 = arith.cmpi slt, %mul3A_63, %sign3A_343 : i32
        %sign3A_345 = arith.extui %sign3A_344 : i1 to i32
        %sign3A_346 = arith.subi %sign3A_342, %sign3A_345 : i32
        %sign3A_347 = arith.constant 0 : i32
        %sign3A_348 = arith.cmpi sgt, %jit3A_338, %sign3A_347 : i32
        %sign3A_349 = arith.extui %sign3A_348 : i1 to i32
        %sign3A_350 = arith.constant 0 : i32
        %sign3A_351 = arith.cmpi slt, %jit3A_338, %sign3A_350 : i32
        %sign3A_352 = arith.extui %sign3A_351 : i1 to i32
        %sign3A_353 = arith.subi %sign3A_349, %sign3A_352 : i32
        %ne3A_354 = arith.cmpi ne, %sign3A_346, %sign3A_353 : i32
        %rem3A_355 = arith.remsi %mul3A_63, %jit3A_338 : i32
        %ne3A_356 = arith.constant 0 : i32
        %ne3A_357 = arith.cmpi ne, %rem3A_355, %ne3A_356 : i32
        %and3A_358 = arith.andi %ne3A_354, %ne3A_357 : i1
        %sub3A_359 = arith.constant 1 : i32
        %sub3A_360 = arith.subi %div3A_339, %sub3A_359 : i32
        %select_n3A_361 = arith.select %and3A_358, %sub3A_360, %div3A_339 : i32
        %jit3A_362 = arith.constant 13 : i32
        %eq3A_363 = arith.constant 0 : i32
        %eq3A_364 = arith.cmpi eq, %jit3A_362, %eq3A_363 : i32
        %jit3A_365 = arith.constant 1 : i32
        %select_n3A_366 = arith.select %eq3A_364, %jit3A_365, %jit3A_362 : i32
        %rem3A_367 = arith.remsi %mul3A_63, %select_n3A_366 : i32
        %ne3A_368 = arith.constant 0 : i32
        %ne3A_369 = arith.cmpi ne, %rem3A_367, %ne3A_368 : i32
        %lt3A_370 = arith.constant 0 : i32
        %lt3A_371 = arith.cmpi slt, %rem3A_367, %lt3A_370 : i32
        %lt3A_372 = arith.constant 0 : i32
        %lt3A_373 = arith.cmpi slt, %select_n3A_366, %lt3A_372 : i32
        %ne3A_374 = arith.xori %lt3A_371, %lt3A_373 : i1
        %and3A_375 = arith.andi %ne3A_374, %ne3A_369 : i1
        %add3A_376 = arith.addi %rem3A_367, %select_n3A_366 : i32
        %select_n3A_377 = arith.select %and3A_375, %add3A_376, %rem3A_367 : i32
        %mul3A_378 = arith.constant 2 : i32
        %mul3A_379 = arith.muli %add3A, %mul3A_378 : i32
        %add3A_380 = arith.addi %mul3A_379, %select_n3A_361 : i32
        %mul3A_381 = arith.constant 256 : i32
        %mul3A_382 = arith.muli %add3A_380, %mul3A_381 : i32
        %mul3A_383 = arith.constant 16 : i32
        %mul3A_384 = arith.muli %select_n3A_377, %mul3A_383 : i32
        %min3A_385 = arith.constant 184 : i32
        %min3A_386 = arith.minsi %mul3A_384, %min3A_385 : i32
        %mul3A_387 = arith.constant 131072 : i32
        %mul3A_388 = arith.muli %select_n3A_377, %mul3A_387 : i32
        %mul3A_389 = arith.constant 8 : i32
        %mul3A_390 = arith.muli %mul3A_382, %mul3A_389 : i32
        %add3A_391 = arith.addi %mul3A_388, %mul3A_390 : i32
        %dma_wait3A_392 = arith.constant 0 : i32
        %dma_wait3A_393 = tpu.memref_slice %arg4[%add3A_391, %dma_wait3A_392] : memref<1703936x16xi32, #tpu.memory_space<hbm>> -> memref<2048x16xi32, #tpu.memory_space<hbm>>
        %dma_wait3A_394 = arith.constant 0 : i32
        %dma_wait3A_395 = tpu.memref_slice %arg4[%add3A_391, %dma_wait3A_394] : memref<1703936x16xi32, #tpu.memory_space<hbm>> -> memref<2048x16xi32, #tpu.memory_space<hbm>>
        tpu.wait_dma2 semaphore(%arg18 : memref<!tpu.dma_semaphore, #tpu.memory_space<semaphore_mem>>) src(%arg11 : memref<2048x16xi32, #tpu.memory_space<vmem>>) dst(%dma_wait3A_395 : memref<2048x16xi32, #tpu.memory_space<hbm>>)
      } else {
      }
      %dma_start3A_127 = arith.constant 0 : i32
      %dma_start3A_128 = tpu.memref_slice %arg9[%dma_start3A_127] : memref<2056xi32, #tpu.memory_space<vmem>> -> memref<2048xi32, #tpu.memory_space<vmem>>
      %dma_start3A_129 = arith.constant 0 : i32
      %dma_start3A_130 = arith.constant 0 : i32
      %dma_start3A_131 = tpu.memref_slice %arg13[%dma_start3A_129, %dma_start3A_130] : memref<40000x16xi32, #tpu.memory_space<vmem_shared>> -> memref<40000x16xi32, #tpu.memory_space<vmem_shared>>
      tpu.enqueue_indirect_dma source(%dma_start3A_131 : memref<40000x16xi32, #tpu.memory_space<vmem_shared>>) target(%arg11 : memref<2048x16xi32, #tpu.memory_space<vmem>>) offsets(%dma_start3A_128 : memref<2048xi32, #tpu.memory_space<vmem>>) semaphore(%arg16 : memref<!tpu.dma_semaphore, #tpu.memory_space<semaphore_mem>>)
      %dma_wait3A_132 = arith.constant 0 : i32
      %dma_wait3A_133 = tpu.memref_slice %arg9[%dma_wait3A_132] : memref<2056xi32, #tpu.memory_space<vmem>> -> memref<2048xi32, #tpu.memory_space<vmem>>
      %dma_wait3A_134 = arith.constant 0 : i32
      %dma_wait3A_135 = arith.constant 0 : i32
      %dma_wait3A_136 = tpu.memref_slice %arg13[%dma_wait3A_134, %dma_wait3A_135] : memref<40000x16xi32, #tpu.memory_space<vmem_shared>> -> memref<40000x16xi32, #tpu.memory_space<vmem_shared>>
      tpu.wait_indirect_dma semaphore(%arg16 : memref<!tpu.dma_semaphore, #tpu.memory_space<semaphore_mem>>) src(%dma_wait3A_136 : memref<40000x16xi32, #tpu.memory_space<vmem_shared>>) dst(%arg11 : memref<2048x16xi32, #tpu.memory_space<vmem>>)
      %jit3A_137 = arith.constant 13 : i32
      %div3A_138 = arith.divsi %mul3A_63, %jit3A_137 : i32
      %sign3A_139 = arith.constant 0 : i32
      %sign3A_140 = arith.cmpi sgt, %mul3A_63, %sign3A_139 : i32
      %sign3A_141 = arith.extui %sign3A_140 : i1 to i32
      %sign3A_142 = arith.constant 0 : i32
      %sign3A_143 = arith.cmpi slt, %mul3A_63, %sign3A_142 : i32
      %sign3A_144 = arith.extui %sign3A_143 : i1 to i32
      %sign3A_145 = arith.subi %sign3A_141, %sign3A_144 : i32
      %sign3A_146 = arith.constant 0 : i32
      %sign3A_147 = arith.cmpi sgt, %jit3A_137, %sign3A_146 : i32
      %sign3A_148 = arith.extui %sign3A_147 : i1 to i32
      %sign3A_149 = arith.constant 0 : i32
      %sign3A_150 = arith.cmpi slt, %jit3A_137, %sign3A_149 : i32
      %sign3A_151 = arith.extui %sign3A_150 : i1 to i32
      %sign3A_152 = arith.subi %sign3A_148, %sign3A_151 : i32
      %ne3A_153 = arith.cmpi ne, %sign3A_145, %sign3A_152 : i32
      %rem3A_154 = arith.remsi %mul3A_63, %jit3A_137 : i32
      %ne3A_155 = arith.constant 0 : i32
      %ne3A_156 = arith.cmpi ne, %rem3A_154, %ne3A_155 : i32
      %and3A_157 = arith.andi %ne3A_153, %ne3A_156 : i1
      %sub3A_158 = arith.constant 1 : i32
      %sub3A_159 = arith.subi %div3A_138, %sub3A_158 : i32
      %select_n3A_160 = arith.select %and3A_157, %sub3A_159, %div3A_138 : i32
      %jit3A_161 = arith.constant 13 : i32
      %eq3A_162 = arith.constant 0 : i32
      %eq3A_163 = arith.cmpi eq, %jit3A_161, %eq3A_162 : i32
      %jit3A_164 = arith.constant 1 : i32
      %select_n3A_165 = arith.select %eq3A_163, %jit3A_164, %jit3A_161 : i32
      %rem3A_166 = arith.remsi %mul3A_63, %select_n3A_165 : i32
      %ne3A_167 = arith.constant 0 : i32
      %ne3A_168 = arith.cmpi ne, %rem3A_166, %ne3A_167 : i32
      %lt3A_169 = arith.constant 0 : i32
      %lt3A_170 = arith.cmpi slt, %rem3A_166, %lt3A_169 : i32
      %lt3A_171 = arith.constant 0 : i32
      %lt3A_172 = arith.cmpi slt, %select_n3A_165, %lt3A_171 : i32
      %ne3A_173 = arith.xori %lt3A_170, %lt3A_172 : i1
      %and3A_174 = arith.andi %ne3A_173, %ne3A_168 : i1
      %add3A_175 = arith.addi %rem3A_166, %select_n3A_165 : i32
      %select_n3A_176 = arith.select %and3A_174, %add3A_175, %rem3A_166 : i32
      %mul3A_177 = arith.constant 2 : i32
      %mul3A_178 = arith.muli %add3A, %mul3A_177 : i32
      %add3A_179 = arith.addi %mul3A_178, %select_n3A_160 : i32
      %mul3A_180 = arith.constant 256 : i32
      %mul3A_181 = arith.muli %add3A_179, %mul3A_180 : i32
      %mul3A_182 = arith.constant 16 : i32
      %mul3A_183 = arith.muli %select_n3A_176, %mul3A_182 : i32
      %min3A_184 = arith.constant 184 : i32
      %min3A_185 = arith.minsi %mul3A_183, %min3A_184 : i32
      %mul3A_186 = arith.constant 131072 : i32
      %mul3A_187 = arith.muli %select_n3A_176, %mul3A_186 : i32
      %mul3A_188 = arith.constant 8 : i32
      %mul3A_189 = arith.muli %mul3A_181, %mul3A_188 : i32
      %add3A_190 = arith.addi %mul3A_187, %mul3A_189 : i32
      %dma_start3A_191 = arith.constant 0 : i32
      %dma_start3A_192 = tpu.memref_slice %arg4[%add3A_190, %dma_start3A_191] : memref<1703936x16xi32, #tpu.memory_space<hbm>> -> memref<2048x16xi32, #tpu.memory_space<hbm>>
      %dma_start3A_193 = arith.constant 0 : i32
      %dma_start3A_194 = tpu.memref_slice %arg4[%add3A_190, %dma_start3A_193] : memref<1703936x16xi32, #tpu.memory_space<hbm>> -> memref<2048x16xi32, #tpu.memory_space<hbm>>
      tpu.enqueue_dma source(%arg11 : memref<2048x16xi32, #tpu.memory_space<vmem>>) target(%dma_start3A_194 : memref<2048x16xi32, #tpu.memory_space<hbm>>) target_semaphore(%arg18 : memref<!tpu.dma_semaphore, #tpu.memory_space<semaphore_mem>>)
      %add3A_195 = arith.constant 1 : i32
      %add3A_196 = arith.addi %mul3A_63, %add3A_195 : i32
      %jit3A_197 = arith.constant 13 : i32
      %div3A_198 = arith.divsi %add3A_196, %jit3A_197 : i32
      %sign3A_199 = arith.constant 0 : i32
      %sign3A_200 = arith.cmpi sgt, %add3A_196, %sign3A_199 : i32
      %sign3A_201 = arith.extui %sign3A_200 : i1 to i32
      %sign3A_202 = arith.constant 0 : i32
      %sign3A_203 = arith.cmpi slt, %add3A_196, %sign3A_202 : i32
      %sign3A_204 = arith.extui %sign3A_203 : i1 to i32
      %sign3A_205 = arith.subi %sign3A_201, %sign3A_204 : i32
      %sign3A_206 = arith.constant 0 : i32
      %sign3A_207 = arith.cmpi sgt, %jit3A_197, %sign3A_206 : i32
      %sign3A_208 = arith.extui %sign3A_207 : i1 to i32
      %sign3A_209 = arith.constant 0 : i32
      %sign3A_210 = arith.cmpi slt, %jit3A_197, %sign3A_209 : i32
      %sign3A_211 = arith.extui %sign3A_210 : i1 to i32
      %sign3A_212 = arith.subi %sign3A_208, %sign3A_211 : i32
      %ne3A_213 = arith.cmpi ne, %sign3A_205, %sign3A_212 : i32
      %rem3A_214 = arith.remsi %add3A_196, %jit3A_197 : i32
      %ne3A_215 = arith.constant 0 : i32
      %ne3A_216 = arith.cmpi ne, %rem3A_214, %ne3A_215 : i32
      %and3A_217 = arith.andi %ne3A_213, %ne3A_216 : i1
      %sub3A_218 = arith.constant 1 : i32
      %sub3A_219 = arith.subi %div3A_198, %sub3A_218 : i32
      %select_n3A_220 = arith.select %and3A_217, %sub3A_219, %div3A_198 : i32
      %jit3A_221 = arith.constant 13 : i32
      %eq3A_222 = arith.constant 0 : i32
      %eq3A_223 = arith.cmpi eq, %jit3A_221, %eq3A_222 : i32
      %jit3A_224 = arith.constant 1 : i32
      %select_n3A_225 = arith.select %eq3A_223, %jit3A_224, %jit3A_221 : i32
      %rem3A_226 = arith.remsi %add3A_196, %select_n3A_225 : i32
      %ne3A_227 = arith.constant 0 : i32
      %ne3A_228 = arith.cmpi ne, %rem3A_226, %ne3A_227 : i32
      %lt3A_229 = arith.constant 0 : i32
      %lt3A_230 = arith.cmpi slt, %rem3A_226, %lt3A_229 : i32
      %lt3A_231 = arith.constant 0 : i32
      %lt3A_232 = arith.cmpi slt, %select_n3A_225, %lt3A_231 : i32
      %ne3A_233 = arith.xori %lt3A_230, %lt3A_232 : i1
      %and3A_234 = arith.andi %ne3A_233, %ne3A_228 : i1
      %add3A_235 = arith.addi %rem3A_226, %select_n3A_225 : i32
      %select_n3A_236 = arith.select %and3A_234, %add3A_235, %rem3A_226 : i32
      %mul3A_237 = arith.constant 2 : i32
      %mul3A_238 = arith.muli %add3A, %mul3A_237 : i32
      %add3A_239 = arith.addi %mul3A_238, %select_n3A_220 : i32
      %mul3A_240 = arith.constant 256 : i32
      %mul3A_241 = arith.muli %add3A_239, %mul3A_240 : i32
      %mul3A_242 = arith.constant 16 : i32
      %mul3A_243 = arith.muli %select_n3A_236, %mul3A_242 : i32
      %min3A_244 = arith.constant 184 : i32
      %min3A_245 = arith.minsi %mul3A_243, %min3A_244 : i32
      %dma_wait3A_246 = tpu.memref_slice %arg2[%mul3A_241, %min3A_245] : memref<16384x200xi32, #tpu.memory_space<hbm>> -> memref<256x16xi32, #tpu.memory_space<hbm>>
      %dma_wait3A_247 = tpu.memref_slice %arg2[%mul3A_241, %min3A_245] : memref<16384x200xi32, #tpu.memory_space<hbm>> -> memref<256x16xi32, #tpu.memory_space<hbm>>
      tpu.wait_dma2 semaphore(%arg15 : memref<!tpu.dma_semaphore, #tpu.memory_space<semaphore_mem>>) src(%dma_wait3A_247 : memref<256x16xi32, #tpu.memory_space<hbm>>) dst(%arg6 : memref<256x16xi32, #tpu.memory_space<vmem>>)
      %scan3A_248 = arith.constant 0 : i32
      %scan3A_249 = arith.constant 0 : i32
      %scan3A_250 = arith.constant 256 : i32
      %scan3A_251 = arith.addi %scan3A_249, %scan3A_250 : i32
      %scan3A_252 = arith.constant 1 : i32
      scf.for %scan3A_338 = %scan3A_249 to %scan3A_251 step %scan3A_252  : i32 {
        %get3A = arith.index_cast %scan3A_338 : i32 to index
        %get3A_339 = arith.constant 0 : index
        %get3A_340 = tpu.vector_load %arg6[%get3A, %get3A_339] {strides = array<i32>} : memref<256x16xi32, #tpu.memory_space<vmem>>, vector<1x16xi32>,
        %get3A_341 = vector.shape_cast %get3A_340 : vector<1x16xi32> to vector<16xi32>
        %mul3A_342 = arith.constant 16 : i32
        %mul3A_343 = arith.muli %scan3A_338, %mul3A_342 : i32
        %swap3A = arith.index_cast %mul3A_343 : i32 to index
        %swap3A_344 = tpu.vector_load %arg8[%swap3A] {strides = array<i32>} : memref<4104xi32, #tpu.memory_space<vmem>>, vector<16xi32>,
        %swap3A_345 = vector.shape_cast %swap3A_344 : vector<16xi32> to vector<16xi32>
        %swap3A_346 = vector.shape_cast %get3A_341 : vector<16xi32> to vector<16xi32>
        tpu.vector_store %arg8[%swap3A], %swap3A_346 {strides = array<i32>} : memref<4104xi32, #tpu.memory_space<vmem>>, vector<16xi32>,
      }
      %scan3A_253 = arith.constant 256 : i32
      %scan3A_254 = arith.constant 0 : i32
      %scan3A_255 = arith.constant 0 : i32
      %scan3A_256 = arith.constant 256 : i32
      %scan3A_257 = arith.addi %scan3A_255, %scan3A_256 : i32
      %scan3A_258 = arith.constant 1 : i32
      scf.for %scan3A_338 = %scan3A_255 to %scan3A_257 step %scan3A_258  : i32 {
        %mul3A_339 = arith.constant 16 : i32
        %mul3A_340 = arith.muli %scan3A_338, %mul3A_339 : i32
        %get3A = arith.index_cast %mul3A_340 : i32 to index
        %get3A_341 = tpu.vector_load %arg8[%get3A] {strides = array<i32>} : memref<4104xi32, #tpu.memory_space<vmem>>, vector<16xi32>,
        %get3A_342 = vector.shape_cast %get3A_341 : vector<16xi32> to vector<16xi32>
        %mul3A_343 = arith.constant 16 : i32
        %mul3A_344 = arith.muli %scan3A_338, %mul3A_343 : i32
        %add3A_345 = arith.constant 8 : i32
        %add3A_346 = arith.addi %mul3A_344, %add3A_345 : i32
        %get3A_347 = arith.index_cast %add3A_346 : i32 to index
        %get3A_348 = tpu.vector_load %arg8[%get3A_347] {strides = array<i32>} : memref<4104xi32, #tpu.memory_space<vmem>>, vector<16xi32>,
        %get3A_349 = vector.shape_cast %get3A_348 : vector<16xi32> to vector<16xi32>
        %mul3A_350 = arith.constant 200 : i32
        %mul3A_351 = vector.broadcast %mul3A_350 : i32 to vector<16xi32>
        %mul3A_352 = arith.muli %get3A_342, %mul3A_351 : vector<16xi32>
        %add3A_353 = arith.addi %mul3A_352, %get3A_349 : vector<16xi32>
        %mul3A_354 = arith.constant 8 : i32
        %mul3A_355 = arith.muli %scan3A_338, %mul3A_354 : i32
        %swap3A = arith.index_cast %mul3A_355 : i32 to index
        %swap3A_356 = tpu.vector_load %arg10[%swap3A] {strides = array<i32>} : memref<2056xi32, #tpu.memory_space<vmem>>, vector<16xi32>,
        %swap3A_357 = vector.shape_cast %swap3A_356 : vector<16xi32> to vector<16xi32>
        %swap3A_358 = vector.shape_cast %add3A_353 : vector<16xi32> to vector<16xi32>
        tpu.vector_store %arg10[%swap3A], %swap3A_358 {strides = array<i32>} : memref<2056xi32, #tpu.memory_space<vmem>>, vector<16xi32>,
      }
      %scan3A_259 = arith.constant 256 : i32
      %lt3A_260 = arith.constant 12 : i32
      %lt3A_261 = arith.cmpi slt, %scan3A_61, %lt3A_260 : i32
      %convert_element_type3A_262 = arith.extui %lt3A_261 : i1 to i32
      %cond3A_263 = arith.constant 0 : i32
      %cond3A_264 = arith.cmpi ne, %convert_element_type3A_262, %cond3A_263 : i32
      scf.if %cond3A_264 {
        %add3A_338 = arith.constant 2 : i32
        %add3A_339 = arith.addi %add3A_196, %add3A_338 : i32
        %jit3A_340 = arith.constant 13 : i32
        %div3A_341 = arith.divsi %add3A_339, %jit3A_340 : i32
        %sign3A_342 = arith.constant 0 : i32
        %sign3A_343 = arith.cmpi sgt, %add3A_339, %sign3A_342 : i32
        %sign3A_344 = arith.extui %sign3A_343 : i1 to i32
        %sign3A_345 = arith.constant 0 : i32
        %sign3A_346 = arith.cmpi slt, %add3A_339, %sign3A_345 : i32
        %sign3A_347 = arith.extui %sign3A_346 : i1 to i32
        %sign3A_348 = arith.subi %sign3A_344, %sign3A_347 : i32
        %sign3A_349 = arith.constant 0 : i32
        %sign3A_350 = arith.cmpi sgt, %jit3A_340, %sign3A_349 : i32
        %sign3A_351 = arith.extui %sign3A_350 : i1 to i32
        %sign3A_352 = arith.constant 0 : i32
        %sign3A_353 = arith.cmpi slt, %jit3A_340, %sign3A_352 : i32
        %sign3A_354 = arith.extui %sign3A_353 : i1 to i32
        %sign3A_355 = arith.subi %sign3A_351, %sign3A_354 : i32
        %ne3A_356 = arith.cmpi ne, %sign3A_348, %sign3A_355 : i32
        %rem3A_357 = arith.remsi %add3A_339, %jit3A_340 : i32
        %ne3A_358 = arith.constant 0 : i32
        %ne3A_359 = arith.cmpi ne, %rem3A_357, %ne3A_358 : i32
        %and3A_360 = arith.andi %ne3A_356, %ne3A_359 : i1
        %sub3A_361 = arith.constant 1 : i32
        %sub3A_362 = arith.subi %div3A_341, %sub3A_361 : i32
        %select_n3A_363 = arith.select %and3A_360, %sub3A_362, %div3A_341 : i32
        %jit3A_364 = arith.constant 13 : i32
        %eq3A_365 = arith.constant 0 : i32
        %eq3A_366 = arith.cmpi eq, %jit3A_364, %eq3A_365 : i32
        %jit3A_367 = arith.constant 1 : i32
        %select_n3A_368 = arith.select %eq3A_366, %jit3A_367, %jit3A_364 : i32
        %rem3A_369 = arith.remsi %add3A_339, %select_n3A_368 : i32
        %ne3A_370 = arith.constant 0 : i32
        %ne3A_371 = arith.cmpi ne, %rem3A_369, %ne3A_370 : i32
        %lt3A_372 = arith.constant 0 : i32
        %lt3A_373 = arith.cmpi slt, %rem3A_369, %lt3A_372 : i32
        %lt3A_374 = arith.constant 0 : i32
        %lt3A_375 = arith.cmpi slt, %select_n3A_368, %lt3A_374 : i32
        %ne3A_376 = arith.xori %lt3A_373, %lt3A_375 : i1
        %and3A_377 = arith.andi %ne3A_376, %ne3A_371 : i1
        %add3A_378 = arith.addi %rem3A_369, %select_n3A_368 : i32
        %select_n3A_379 = arith.select %and3A_377, %add3A_378, %rem3A_369 : i32
        %mul3A_380 = arith.constant 2 : i32
        %mul3A_381 = arith.muli %add3A, %mul3A_380 : i32
        %add3A_382 = arith.addi %mul3A_381, %select_n3A_363 : i32
        %mul3A_383 = arith.constant 256 : i32
        %mul3A_384 = arith.muli %add3A_382, %mul3A_383 : i32
        %mul3A_385 = arith.constant 16 : i32
        %mul3A_386 = arith.muli %select_n3A_379, %mul3A_385 : i32
        %min3A_387 = arith.constant 184 : i32
        %min3A_388 = arith.minsi %mul3A_386, %min3A_387 : i32
        %dma_start3A_389 = tpu.memref_slice %arg2[%mul3A_384, %min3A_388] : memref<16384x200xi32, #tpu.memory_space<hbm>> -> memref<256x16xi32, #tpu.memory_space<hbm>>
        %dma_start3A_390 = tpu.memref_slice %arg2[%mul3A_384, %min3A_388] : memref<16384x200xi32, #tpu.memory_space<hbm>> -> memref<256x16xi32, #tpu.memory_space<hbm>>
        tpu.enqueue_dma source(%dma_start3A_390 : memref<256x16xi32, #tpu.memory_space<hbm>>) target(%arg6 : memref<256x16xi32, #tpu.memory_space<vmem>>) target_semaphore(%arg15 : memref<!tpu.dma_semaphore, #tpu.memory_space<semaphore_mem>>)
      } else {
      }
      %gt3A_265 = arith.constant 0 : i32
      %gt3A_266 = arith.cmpi sgt, %scan3A_61, %gt3A_265 : i32
      %convert_element_type3A_267 = arith.extui %gt3A_266 : i1 to i32
      %cond3A_268 = arith.constant 0 : i32
      %cond3A_269 = arith.cmpi ne, %convert_element_type3A_267, %cond3A_268 : i32
      scf.if %cond3A_269 {
        %jit3A_338 = arith.constant 13 : i32
        %div3A_339 = arith.divsi %add3A_196, %jit3A_338 : i32
        %sign3A_340 = arith.constant 0 : i32
        %sign3A_341 = arith.cmpi sgt, %add3A_196, %sign3A_340 : i32
        %sign3A_342 = arith.extui %sign3A_341 : i1 to i32
        %sign3A_343 = arith.constant 0 : i32
        %sign3A_344 = arith.cmpi slt, %add3A_196, %sign3A_343 : i32
        %sign3A_345 = arith.extui %sign3A_344 : i1 to i32
        %sign3A_346 = arith.subi %sign3A_342, %sign3A_345 : i32
        %sign3A_347 = arith.constant 0 : i32
        %sign3A_348 = arith.cmpi sgt, %jit3A_338, %sign3A_347 : i32
        %sign3A_349 = arith.extui %sign3A_348 : i1 to i32
        %sign3A_350 = arith.constant 0 : i32
        %sign3A_351 = arith.cmpi slt, %jit3A_338, %sign3A_350 : i32
        %sign3A_352 = arith.extui %sign3A_351 : i1 to i32
        %sign3A_353 = arith.subi %sign3A_349, %sign3A_352 : i32
        %ne3A_354 = arith.cmpi ne, %sign3A_346, %sign3A_353 : i32
        %rem3A_355 = arith.remsi %add3A_196, %jit3A_338 : i32
        %ne3A_356 = arith.constant 0 : i32
        %ne3A_357 = arith.cmpi ne, %rem3A_355, %ne3A_356 : i32
        %and3A_358 = arith.andi %ne3A_354, %ne3A_357 : i1
        %sub3A_359 = arith.constant 1 : i32
        %sub3A_360 = arith.subi %div3A_339, %sub3A_359 : i32
        %select_n3A_361 = arith.select %and3A_358, %sub3A_360, %div3A_339 : i32
        %jit3A_362 = arith.constant 13 : i32
        %eq3A_363 = arith.constant 0 : i32
        %eq3A_364 = arith.cmpi eq, %jit3A_362, %eq3A_363 : i32
        %jit3A_365 = arith.constant 1 : i32
        %select_n3A_366 = arith.select %eq3A_364, %jit3A_365, %jit3A_362 : i32
        %rem3A_367 = arith.remsi %add3A_196, %select_n3A_366 : i32
        %ne3A_368 = arith.constant 0 : i32
        %ne3A_369 = arith.cmpi ne, %rem3A_367, %ne3A_368 : i32
        %lt3A_370 = arith.constant 0 : i32
        %lt3A_371 = arith.cmpi slt, %rem3A_367, %lt3A_370 : i32
        %lt3A_372 = arith.constant 0 : i32
        %lt3A_373 = arith.cmpi slt, %select_n3A_366, %lt3A_372 : i32
        %ne3A_374 = arith.xori %lt3A_371, %lt3A_373 : i1
        %and3A_375 = arith.andi %ne3A_374, %ne3A_369 : i1
        %add3A_376 = arith.addi %rem3A_367, %select_n3A_366 : i32
        %select_n3A_377 = arith.select %and3A_375, %add3A_376, %rem3A_367 : i32
        %mul3A_378 = arith.constant 2 : i32
        %mul3A_379 = arith.muli %add3A, %mul3A_378 : i32
        %add3A_380 = arith.addi %mul3A_379, %select_n3A_361 : i32
        %mul3A_381 = arith.constant 256 : i32
        %mul3A_382 = arith.muli %add3A_380, %mul3A_381 : i32
        %mul3A_383 = arith.constant 16 : i32
        %mul3A_384 = arith.muli %select_n3A_377, %mul3A_383 : i32
        %min3A_385 = arith.constant 184 : i32
        %min3A_386 = arith.minsi %mul3A_384, %min3A_385 : i32
        %mul3A_387 = arith.constant 131072 : i32
        %mul3A_388 = arith.muli %select_n3A_377, %mul3A_387 : i32
        %mul3A_389 = arith.constant 8 : i32
        %mul3A_390 = arith.muli %mul3A_382, %mul3A_389 : i32
        %add3A_391 = arith.addi %mul3A_388, %mul3A_390 : i32
        %dma_wait3A_392 = arith.constant 0 : i32
        %dma_wait3A_393 = tpu.memref_slice %arg4[%add3A_391, %dma_wait3A_392] : memref<1703936x16xi32, #tpu.memory_space<hbm>> -> memref<2048x16xi32, #tpu.memory_space<hbm>>
        %dma_wait3A_394 = arith.constant 0 : i32
        %dma_wait3A_395 = tpu.memref_slice %arg4[%add3A_391, %dma_wait3A_394] : memref<1703936x16xi32, #tpu.memory_space<hbm>> -> memref<2048x16xi32, #tpu.memory_space<hbm>>
        tpu.wait_dma2 semaphore(%arg19 : memref<!tpu.dma_semaphore, #tpu.memory_space<semaphore_mem>>) src(%arg12 : memref<2048x16xi32, #tpu.memory_space<vmem>>) dst(%dma_wait3A_395 : memref<2048x16xi32, #tpu.memory_space<hbm>>)
      } else {
      }
      %dma_start3A_270 = arith.constant 0 : i32
      %dma_start3A_271 = tpu.memref_slice %arg10[%dma_start3A_270] : memref<2056xi32, #tpu.memory_space<vmem>> -> memref<2048xi32, #tpu.memory_space<vmem>>
      %dma_start3A_272 = arith.constant 0 : i32
      %dma_start3A_273 = arith.constant 0 : i32
      %dma_start3A_274 = tpu.memref_slice %arg13[%dma_start3A_272, %dma_start3A_273] : memref<40000x16xi32, #tpu.memory_space<vmem_shared>> -> memref<40000x16xi32, #tpu.memory_space<vmem_shared>>
      tpu.enqueue_indirect_dma source(%dma_start3A_274 : memref<40000x16xi32, #tpu.memory_space<vmem_shared>>) target(%arg12 : memref<2048x16xi32, #tpu.memory_space<vmem>>) offsets(%dma_start3A_271 : memref<2048xi32, #tpu.memory_space<vmem>>) semaphore(%arg17 : memref<!tpu.dma_semaphore, #tpu.memory_space<semaphore_mem>>)
      %dma_wait3A_275 = arith.constant 0 : i32
      %dma_wait3A_276 = tpu.memref_slice %arg10[%dma_wait3A_275] : memref<2056xi32, #tpu.memory_space<vmem>> -> memref<2048xi32, #tpu.memory_space<vmem>>
      %dma_wait3A_277 = arith.constant 0 : i32
      %dma_wait3A_278 = arith.constant 0 : i32
      %dma_wait3A_279 = tpu.memref_slice %arg13[%dma_wait3A_277, %dma_wait3A_278] : memref<40000x16xi32, #tpu.memory_space<vmem_shared>> -> memref<40000x16xi32, #tpu.memory_space<vmem_shared>>
      tpu.wait_indirect_dma semaphore(%arg17 : memref<!tpu.dma_semaphore, #tpu.memory_space<semaphore_mem>>) src(%dma_wait3A_279 : memref<40000x16xi32, #tpu.memory_space<vmem_shared>>) dst(%arg12 : memref<2048x16xi32, #tpu.memory_space<vmem>>)
      %jit3A_280 = arith.constant 13 : i32
      %div3A_281 = arith.divsi %add3A_196, %jit3A_280 : i32
      %sign3A_282 = arith.constant 0 : i32
      %sign3A_283 = arith.cmpi sgt, %add3A_196, %sign3A_282 : i32
      %sign3A_284 = arith.extui %sign3A_283 : i1 to i32
      %sign3A_285 = arith.constant 0 : i32
      %sign3A_286 = arith.cmpi slt, %add3A_196, %sign3A_285 : i32
      %sign3A_287 = arith.extui %sign3A_286 : i1 to i32
      %sign3A_288 = arith.subi %sign3A_284, %sign3A_287 : i32
      %sign3A_289 = arith.constant 0 : i32
      %sign3A_290 = arith.cmpi sgt, %jit3A_280, %sign3A_289 : i32
      %sign3A_291 = arith.extui %sign3A_290 : i1 to i32
      %sign3A_292 = arith.constant 0 : i32
      %sign3A_293 = arith.cmpi slt, %jit3A_280, %sign3A_292 : i32
      %sign3A_294 = arith.extui %sign3A_293 : i1 to i32
      %sign3A_295 = arith.subi %sign3A_291, %sign3A_294 : i32
      %ne3A_296 = arith.cmpi ne, %sign3A_288, %sign3A_295 : i32
      %rem3A_297 = arith.remsi %add3A_196, %jit3A_280 : i32
      %ne3A_298 = arith.constant 0 : i32
      %ne3A_299 = arith.cmpi ne, %rem3A_297, %ne3A_298 : i32
      %and3A_300 = arith.andi %ne3A_296, %ne3A_299 : i1
      %sub3A_301 = arith.constant 1 : i32
      %sub3A_302 = arith.subi %div3A_281, %sub3A_301 : i32
      %select_n3A_303 = arith.select %and3A_300, %sub3A_302, %div3A_281 : i32
      %jit3A_304 = arith.constant 13 : i32
      %eq3A_305 = arith.constant 0 : i32
      %eq3A_306 = arith.cmpi eq, %jit3A_304, %eq3A_305 : i32
      %jit3A_307 = arith.constant 1 : i32
      %select_n3A_308 = arith.select %eq3A_306, %jit3A_307, %jit3A_304 : i32
      %rem3A_309 = arith.remsi %add3A_196, %select_n3A_308 : i32
      %ne3A_310 = arith.constant 0 : i32
      %ne3A_311 = arith.cmpi ne, %rem3A_309, %ne3A_310 : i32
      %lt3A_312 = arith.constant 0 : i32
      %lt3A_313 = arith.cmpi slt, %rem3A_309, %lt3A_312 : i32
      %lt3A_314 = arith.constant 0 : i32
      %lt3A_315 = arith.cmpi slt, %select_n3A_308, %lt3A_314 : i32
      %ne3A_316 = arith.xori %lt3A_313, %lt3A_315 : i1
      %and3A_317 = arith.andi %ne3A_316, %ne3A_311 : i1
      %add3A_318 = arith.addi %rem3A_309, %select_n3A_308 : i32
      %select_n3A_319 = arith.select %and3A_317, %add3A_318, %rem3A_309 : i32
      %mul3A_320 = arith.constant 2 : i32
      %mul3A_321 = arith.muli %add3A, %mul3A_320 : i32
      %add3A_322 = arith.addi %mul3A_321, %select_n3A_303 : i32
      %mul3A_323 = arith.constant 256 : i32
      %mul3A_324 = arith.muli %add3A_322, %mul3A_323 : i32
      %mul3A_325 = arith.constant 16 : i32
      %mul3A_326 = arith.muli %select_n3A_319, %mul3A_325 : i32
      %min3A_327 = arith.constant 184 : i32
      %min3A_328 = arith.minsi %mul3A_326, %min3A_327 : i32
      %mul3A_329 = arith.constant 131072 : i32
      %mul3A_330 = arith.muli %select_n3A_319, %mul3A_329 : i32
      %mul3A_331 = arith.constant 8 : i32
      %mul3A_332 = arith.muli %mul3A_324, %mul3A_331 : i32
      %add3A_333 = arith.addi %mul3A_330, %mul3A_332 : i32
      %dma_start3A_334 = arith.constant 0 : i32
      %dma_start3A_335 = tpu.memref_slice %arg4[%add3A_333, %dma_start3A_334] : memref<1703936x16xi32, #tpu.memory_space<hbm>> -> memref<2048x16xi32, #tpu.memory_space<hbm>>
      %dma_start3A_336 = arith.constant 0 : i32
      %dma_start3A_337 = tpu.memref_slice %arg4[%add3A_333, %dma_start3A_336] : memref<1703936x16xi32, #tpu.memory_space<hbm>> -> memref<2048x16xi32, #tpu.memory_space<hbm>>
      tpu.enqueue_dma source(%arg12 : memref<2048x16xi32, #tpu.memory_space<vmem>>) target(%dma_start3A_337 : memref<2048x16xi32, #tpu.memory_space<hbm>>) target_semaphore(%arg19 : memref<!tpu.dma_semaphore, #tpu.memory_space<semaphore_mem>>)
    }
    %scan3A_27 = arith.constant 13 : i32
    %mul3A_28 = arith.constant 2 : i32
    %mul3A_29 = arith.muli %add3A, %mul3A_28 : i32
    %add3A_30 = arith.constant 1 : i32
    %add3A_31 = arith.addi %mul3A_29, %add3A_30 : i32
    %mul3A_32 = arith.constant 256 : i32
    %mul3A_33 = arith.muli %add3A_31, %mul3A_32 : i32
    %min3A_34 = arith.constant 176 : i32
    %min3A_35 = arith.constant 184 : i32
    %min3A_36 = arith.minsi %min3A_34, %min3A_35 : i32
    %mul3A_37 = arith.constant 8 : i32
    %mul3A_38 = arith.muli %mul3A_33, %mul3A_37 : i32
    %add3A_39 = arith.constant 1441792 : i32
    %add3A_40 = arith.addi %add3A_39, %mul3A_38 : i32
    %dma_wait3A = arith.constant 0 : i32
    %dma_wait3A_41 = tpu.memref_slice %arg4[%add3A_40, %dma_wait3A] : memref<1703936x16xi32, #tpu.memory_space<hbm>> -> memref<2048x16xi32, #tpu.memory_space<hbm>>
    %dma_wait3A_42 = arith.constant 0 : i32
    %dma_wait3A_43 = tpu.memref_slice %arg4[%add3A_40, %dma_wait3A_42] : memref<1703936x16xi32, #tpu.memory_space<hbm>> -> memref<2048x16xi32, #tpu.memory_space<hbm>>
    tpu.wait_dma2 semaphore(%arg18 : memref<!tpu.dma_semaphore, #tpu.memory_space<semaphore_mem>>) src(%arg11 : memref<2048x16xi32, #tpu.memory_space<vmem>>) dst(%dma_wait3A_43 : memref<2048x16xi32, #tpu.memory_space<hbm>>)
    %mul3A_44 = arith.constant 2 : i32
    %mul3A_45 = arith.muli %add3A, %mul3A_44 : i32
    %add3A_46 = arith.constant 1 : i32
    %add3A_47 = arith.addi %mul3A_45, %add3A_46 : i32
    %mul3A_48 = arith.constant 256 : i32
    %mul3A_49 = arith.muli %add3A_47, %mul3A_48 : i32
    %min3A_50 = arith.constant 192 : i32
    %min3A_51 = arith.constant 184 : i32
    %min3A_52 = arith.minsi %min3A_50, %min3A_51 : i32
    %mul3A_53 = arith.constant 8 : i32
    %mul3A_54 = arith.muli %mul3A_49, %mul3A_53 : i32
    %add3A_55 = arith.constant 1572864 : i32
    %add3A_56 = arith.addi %add3A_55, %mul3A_54 : i32
    %dma_wait3A_57 = arith.constant 0 : i32
    %dma_wait3A_58 = tpu.memref_slice %arg4[%add3A_56, %dma_wait3A_57] : memref<1703936x16xi32, #tpu.memory_space<hbm>> -> memref<2048x16xi32, #tpu.memory_space<hbm>>
    %dma_wait3A_59 = arith.constant 0 : i32
    %dma_wait3A_60 = tpu.memref_slice %arg4[%add3A_56, %dma_wait3A_59] : memref<1703936x16xi32, #tpu.memory_space<hbm>> -> memref<2048x16xi32, #tpu.memory_space<hbm>>
    tpu.wait_dma2 semaphore(%arg19 : memref<!tpu.dma_semaphore, #tpu.memory_space<semaphore_mem>>) src(%arg12 : memref<2048x16xi32, #tpu.memory_space<vmem>>) dst(%dma_wait3A_60 : memref<2048x16xi32, #tpu.memory_space<hbm>>)
    return
  }
}

module attributes {stable_mosaic.version = 14 : i64} {
  func.func @_mlp_body(%arg0: i32, %arg1: memref<13x1024x128xi32, #tpu.memory_space<vmem>>, %arg2: memref<13x128x128xbf16, #tpu.memory_space<vmem>>, %arg3: memref<13x128x128xbf16, #tpu.memory_space<vmem>>, %arg4: memref<1x128xf32, #tpu.memory_space<vmem>>, %arg5: memref<128x64xf32, #tpu.memory_space<vmem>>, %arg6: memref<1x64xf32, #tpu.memory_space<vmem>>, %arg7: memref<64x2xf32, #tpu.memory_space<vmem>>, %arg8: memref<1x2xf32, #tpu.memory_space<vmem>>, %arg9: memref<1024x2xf32, #tpu.memory_space<vmem>>) attributes {dimension_semantics = [#tpu.dimension_semantics<arbitrary>], iteration_bounds = array<i64: 16>, scalar_prefetch = 0 : i64, scratch_operands = 0 : i64, tpu.core_type = #tpu.core_type<tc>, window_params = [{transform_indices = @transform_0, window_bounds = array<i64: 13, 1024, 128>}, {pipeline_mode = #tpu.pipeline_mode<synchronous>, transform_indices = @transform_1, window_bounds = array<i64: 13, 128, 128>}, {pipeline_mode = #tpu.pipeline_mode<synchronous>, transform_indices = @transform_2, window_bounds = array<i64: 13, 128, 128>}, {pipeline_mode = #tpu.pipeline_mode<synchronous>, transform_indices = @transform_3, window_bounds = array<i64: 1, 128>}, {pipeline_mode = #tpu.pipeline_mode<synchronous>, transform_indices = @transform_4, window_bounds = array<i64: 128, 64>}, {pipeline_mode = #tpu.pipeline_mode<synchronous>, transform_indices = @transform_5, window_bounds = array<i64: 1, 64>}, {pipeline_mode = #tpu.pipeline_mode<synchronous>, transform_indices = @transform_6, window_bounds = array<i64: 64, 2>}, {pipeline_mode = #tpu.pipeline_mode<synchronous>, transform_indices = @transform_7, window_bounds = array<i64: 1, 2>}, {transform_indices = @transform_8, window_bounds = array<i64: 1024, 2>}]} {
    %get3A = arith.constant 0 : index
    %get3A_0 = arith.constant 0 : index
    %get3A_1 = arith.constant 0 : index
    %get3A_2 = vector.load %arg1[%get3A, %get3A_0, %get3A_1] : memref<13x1024x128xi32, #tpu.memory_space<vmem>>, vector<1x1024x128xi32>
    %get3A_3 = vector.shape_cast %get3A_2 : vector<1x1024x128xi32> to vector<1024x128xi32>
    %shift_left3A = arith.constant 16 : i32
    %shift_left3A_4 = vector.broadcast %shift_left3A : i32 to vector<1024x128xi32>
    %shift_left3A_5 = arith.shli %get3A_3, %shift_left3A_4 : vector<1024x128xi32>
    %bitcast_convert_type3A = tpu.bitcast %shift_left3A_5 : vector<1024x128xi32> -> vector<1024x128xf32>
    %convert_element_type3A = arith.truncf %bitcast_convert_type3A : vector<1024x128xf32> to vector<1024x128xbf16>
    %and3A = arith.constant -65536 : i32
    %and3A_6 = vector.broadcast %and3A : i32 to vector<1024x128xi32>
    %and3A_7 = arith.andi %get3A_3, %and3A_6 : vector<1024x128xi32>
    %bitcast_convert_type3A_8 = tpu.bitcast %and3A_7 : vector<1024x128xi32> -> vector<1024x128xf32>
    %convert_element_type3A_9 = arith.truncf %bitcast_convert_type3A_8 : vector<1024x128xf32> to vector<1024x128xbf16>
    %get3A_10 = arith.constant 0 : index
    %get3A_11 = arith.constant 0 : index
    %get3A_12 = arith.constant 0 : index
    %get3A_13 = vector.load %arg2[%get3A_10, %get3A_11, %get3A_12] : memref<13x128x128xbf16, #tpu.memory_space<vmem>>, vector<1x128x128xbf16>
    %get3A_14 = vector.shape_cast %get3A_13 : vector<1x128x128xbf16> to vector<128x128xbf16>
    %dot_general3A = arith.constant dense<0.000000e+00> : vector<1024x128xf32>
    %dot_general3A_15 = tpu.matmul %convert_element_type3A, %get3A_14, %dot_general3A {dimension_numbers = #tpu.dot_dimension_numbers<[1], [0], [0], [1], [0, 0, 1, 1], [], []>, transpose_lhs_hint = false} : vector<1024x128xbf16>, vector<128x128xbf16>, vector<1024x128xf32> -> vector<1024x128xf32>
    %get3A_16 = arith.constant 0 : index
    %get3A_17 = arith.constant 0 : index
    %get3A_18 = arith.constant 0 : index
    %get3A_19 = vector.load %arg3[%get3A_16, %get3A_17, %get3A_18] : memref<13x128x128xbf16, #tpu.memory_space<vmem>>, vector<1x128x128xbf16>
    %get3A_20 = vector.shape_cast %get3A_19 : vector<1x128x128xbf16> to vector<128x128xbf16>
    %dot_general3A_21 = arith.constant dense<0.000000e+00> : vector<1024x128xf32>
    %dot_general3A_22 = tpu.matmul %convert_element_type3A_9, %get3A_20, %dot_general3A_21 {dimension_numbers = #tpu.dot_dimension_numbers<[1], [0], [0], [1], [0, 0, 1, 1], [], []>, transpose_lhs_hint = false} : vector<1024x128xbf16>, vector<128x128xbf16>, vector<1024x128xf32> -> vector<1024x128xf32>
    %add3A = arith.addf %dot_general3A_15, %dot_general3A_22 : vector<1024x128xf32>
    %get3A_23 = arith.constant 1 : index
    %get3A_24 = arith.constant 0 : index
    %get3A_25 = arith.constant 0 : index
    %get3A_26 = vector.load %arg1[%get3A_23, %get3A_24, %get3A_25] : memref<13x1024x128xi32, #tpu.memory_space<vmem>>, vector<1x1024x128xi32>
    %get3A_27 = vector.shape_cast %get3A_26 : vector<1x1024x128xi32> to vector<1024x128xi32>
    %shift_left3A_28 = arith.constant 16 : i32
    %shift_left3A_29 = vector.broadcast %shift_left3A_28 : i32 to vector<1024x128xi32>
    %shift_left3A_30 = arith.shli %get3A_27, %shift_left3A_29 : vector<1024x128xi32>
    %bitcast_convert_type3A_31 = tpu.bitcast %shift_left3A_30 : vector<1024x128xi32> -> vector<1024x128xf32>
    %convert_element_type3A_32 = arith.truncf %bitcast_convert_type3A_31 : vector<1024x128xf32> to vector<1024x128xbf16>
    %and3A_33 = arith.constant -65536 : i32
    %and3A_34 = vector.broadcast %and3A_33 : i32 to vector<1024x128xi32>
    %and3A_35 = arith.andi %get3A_27, %and3A_34 : vector<1024x128xi32>
    %bitcast_convert_type3A_36 = tpu.bitcast %and3A_35 : vector<1024x128xi32> -> vector<1024x128xf32>
    %convert_element_type3A_37 = arith.truncf %bitcast_convert_type3A_36 : vector<1024x128xf32> to vector<1024x128xbf16>
    %get3A_38 = arith.constant 1 : index
    %get3A_39 = arith.constant 0 : index
    %get3A_40 = arith.constant 0 : index
    %get3A_41 = vector.load %arg2[%get3A_38, %get3A_39, %get3A_40] : memref<13x128x128xbf16, #tpu.memory_space<vmem>>, vector<1x128x128xbf16>
    %get3A_42 = vector.shape_cast %get3A_41 : vector<1x128x128xbf16> to vector<128x128xbf16>
    %dot_general3A_43 = arith.constant dense<0.000000e+00> : vector<1024x128xf32>
    %dot_general3A_44 = tpu.matmul %convert_element_type3A_32, %get3A_42, %dot_general3A_43 {dimension_numbers = #tpu.dot_dimension_numbers<[1], [0], [0], [1], [0, 0, 1, 1], [], []>, transpose_lhs_hint = false} : vector<1024x128xbf16>, vector<128x128xbf16>, vector<1024x128xf32> -> vector<1024x128xf32>
    %get3A_45 = arith.constant 1 : index
    %get3A_46 = arith.constant 0 : index
    %get3A_47 = arith.constant 0 : index
    %get3A_48 = vector.load %arg3[%get3A_45, %get3A_46, %get3A_47] : memref<13x128x128xbf16, #tpu.memory_space<vmem>>, vector<1x128x128xbf16>
    %get3A_49 = vector.shape_cast %get3A_48 : vector<1x128x128xbf16> to vector<128x128xbf16>
    %dot_general3A_50 = arith.constant dense<0.000000e+00> : vector<1024x128xf32>
    %dot_general3A_51 = tpu.matmul %convert_element_type3A_37, %get3A_49, %dot_general3A_50 {dimension_numbers = #tpu.dot_dimension_numbers<[1], [0], [0], [1], [0, 0, 1, 1], [], []>, transpose_lhs_hint = false} : vector<1024x128xbf16>, vector<128x128xbf16>, vector<1024x128xf32> -> vector<1024x128xf32>
    %add3A_52 = arith.addf %dot_general3A_44, %dot_general3A_51 : vector<1024x128xf32>
    %add3A_53 = arith.addf %add3A, %add3A_52 : vector<1024x128xf32>
    %get3A_54 = arith.constant 2 : index
    %get3A_55 = arith.constant 0 : index
    %get3A_56 = arith.constant 0 : index
    %get3A_57 = vector.load %arg1[%get3A_54, %get3A_55, %get3A_56] : memref<13x1024x128xi32, #tpu.memory_space<vmem>>, vector<1x1024x128xi32>
    %get3A_58 = vector.shape_cast %get3A_57 : vector<1x1024x128xi32> to vector<1024x128xi32>
    %shift_left3A_59 = arith.constant 16 : i32
    %shift_left3A_60 = vector.broadcast %shift_left3A_59 : i32 to vector<1024x128xi32>
    %shift_left3A_61 = arith.shli %get3A_58, %shift_left3A_60 : vector<1024x128xi32>
    %bitcast_convert_type3A_62 = tpu.bitcast %shift_left3A_61 : vector<1024x128xi32> -> vector<1024x128xf32>
    %convert_element_type3A_63 = arith.truncf %bitcast_convert_type3A_62 : vector<1024x128xf32> to vector<1024x128xbf16>
    %and3A_64 = arith.constant -65536 : i32
    %and3A_65 = vector.broadcast %and3A_64 : i32 to vector<1024x128xi32>
    %and3A_66 = arith.andi %get3A_58, %and3A_65 : vector<1024x128xi32>
    %bitcast_convert_type3A_67 = tpu.bitcast %and3A_66 : vector<1024x128xi32> -> vector<1024x128xf32>
    %convert_element_type3A_68 = arith.truncf %bitcast_convert_type3A_67 : vector<1024x128xf32> to vector<1024x128xbf16>
    %get3A_69 = arith.constant 2 : index
    %get3A_70 = arith.constant 0 : index
    %get3A_71 = arith.constant 0 : index
    %get3A_72 = vector.load %arg2[%get3A_69, %get3A_70, %get3A_71] : memref<13x128x128xbf16, #tpu.memory_space<vmem>>, vector<1x128x128xbf16>
    %get3A_73 = vector.shape_cast %get3A_72 : vector<1x128x128xbf16> to vector<128x128xbf16>
    %dot_general3A_74 = arith.constant dense<0.000000e+00> : vector<1024x128xf32>
    %dot_general3A_75 = tpu.matmul %convert_element_type3A_63, %get3A_73, %dot_general3A_74 {dimension_numbers = #tpu.dot_dimension_numbers<[1], [0], [0], [1], [0, 0, 1, 1], [], []>, transpose_lhs_hint = false} : vector<1024x128xbf16>, vector<128x128xbf16>, vector<1024x128xf32> -> vector<1024x128xf32>
    %get3A_76 = arith.constant 2 : index
    %get3A_77 = arith.constant 0 : index
    %get3A_78 = arith.constant 0 : index
    %get3A_79 = vector.load %arg3[%get3A_76, %get3A_77, %get3A_78] : memref<13x128x128xbf16, #tpu.memory_space<vmem>>, vector<1x128x128xbf16>
    %get3A_80 = vector.shape_cast %get3A_79 : vector<1x128x128xbf16> to vector<128x128xbf16>
    %dot_general3A_81 = arith.constant dense<0.000000e+00> : vector<1024x128xf32>
    %dot_general3A_82 = tpu.matmul %convert_element_type3A_68, %get3A_80, %dot_general3A_81 {dimension_numbers = #tpu.dot_dimension_numbers<[1], [0], [0], [1], [0, 0, 1, 1], [], []>, transpose_lhs_hint = false} : vector<1024x128xbf16>, vector<128x128xbf16>, vector<1024x128xf32> -> vector<1024x128xf32>
    %add3A_83 = arith.addf %dot_general3A_75, %dot_general3A_82 : vector<1024x128xf32>
    %add3A_84 = arith.addf %add3A_53, %add3A_83 : vector<1024x128xf32>
    %get3A_85 = arith.constant 3 : index
    %get3A_86 = arith.constant 0 : index
    %get3A_87 = arith.constant 0 : index
    %get3A_88 = vector.load %arg1[%get3A_85, %get3A_86, %get3A_87] : memref<13x1024x128xi32, #tpu.memory_space<vmem>>, vector<1x1024x128xi32>
    %get3A_89 = vector.shape_cast %get3A_88 : vector<1x1024x128xi32> to vector<1024x128xi32>
    %shift_left3A_90 = arith.constant 16 : i32
    %shift_left3A_91 = vector.broadcast %shift_left3A_90 : i32 to vector<1024x128xi32>
    %shift_left3A_92 = arith.shli %get3A_89, %shift_left3A_91 : vector<1024x128xi32>
    %bitcast_convert_type3A_93 = tpu.bitcast %shift_left3A_92 : vector<1024x128xi32> -> vector<1024x128xf32>
    %convert_element_type3A_94 = arith.truncf %bitcast_convert_type3A_93 : vector<1024x128xf32> to vector<1024x128xbf16>
    %and3A_95 = arith.constant -65536 : i32
    %and3A_96 = vector.broadcast %and3A_95 : i32 to vector<1024x128xi32>
    %and3A_97 = arith.andi %get3A_89, %and3A_96 : vector<1024x128xi32>
    %bitcast_convert_type3A_98 = tpu.bitcast %and3A_97 : vector<1024x128xi32> -> vector<1024x128xf32>
    %convert_element_type3A_99 = arith.truncf %bitcast_convert_type3A_98 : vector<1024x128xf32> to vector<1024x128xbf16>
    %get3A_100 = arith.constant 3 : index
    %get3A_101 = arith.constant 0 : index
    %get3A_102 = arith.constant 0 : index
    %get3A_103 = vector.load %arg2[%get3A_100, %get3A_101, %get3A_102] : memref<13x128x128xbf16, #tpu.memory_space<vmem>>, vector<1x128x128xbf16>
    %get3A_104 = vector.shape_cast %get3A_103 : vector<1x128x128xbf16> to vector<128x128xbf16>
    %dot_general3A_105 = arith.constant dense<0.000000e+00> : vector<1024x128xf32>
    %dot_general3A_106 = tpu.matmul %convert_element_type3A_94, %get3A_104, %dot_general3A_105 {dimension_numbers = #tpu.dot_dimension_numbers<[1], [0], [0], [1], [0, 0, 1, 1], [], []>, transpose_lhs_hint = false} : vector<1024x128xbf16>, vector<128x128xbf16>, vector<1024x128xf32> -> vector<1024x128xf32>
    %get3A_107 = arith.constant 3 : index
    %get3A_108 = arith.constant 0 : index
    %get3A_109 = arith.constant 0 : index
    %get3A_110 = vector.load %arg3[%get3A_107, %get3A_108, %get3A_109] : memref<13x128x128xbf16, #tpu.memory_space<vmem>>, vector<1x128x128xbf16>
    %get3A_111 = vector.shape_cast %get3A_110 : vector<1x128x128xbf16> to vector<128x128xbf16>
    %dot_general3A_112 = arith.constant dense<0.000000e+00> : vector<1024x128xf32>
    %dot_general3A_113 = tpu.matmul %convert_element_type3A_99, %get3A_111, %dot_general3A_112 {dimension_numbers = #tpu.dot_dimension_numbers<[1], [0], [0], [1], [0, 0, 1, 1], [], []>, transpose_lhs_hint = false} : vector<1024x128xbf16>, vector<128x128xbf16>, vector<1024x128xf32> -> vector<1024x128xf32>
    %add3A_114 = arith.addf %dot_general3A_106, %dot_general3A_113 : vector<1024x128xf32>
    %add3A_115 = arith.addf %add3A_84, %add3A_114 : vector<1024x128xf32>
    %get3A_116 = arith.constant 4 : index
    %get3A_117 = arith.constant 0 : index
    %get3A_118 = arith.constant 0 : index
    %get3A_119 = vector.load %arg1[%get3A_116, %get3A_117, %get3A_118] : memref<13x1024x128xi32, #tpu.memory_space<vmem>>, vector<1x1024x128xi32>
    %get3A_120 = vector.shape_cast %get3A_119 : vector<1x1024x128xi32> to vector<1024x128xi32>
    %shift_left3A_121 = arith.constant 16 : i32
    %shift_left3A_122 = vector.broadcast %shift_left3A_121 : i32 to vector<1024x128xi32>
    %shift_left3A_123 = arith.shli %get3A_120, %shift_left3A_122 : vector<1024x128xi32>
    %bitcast_convert_type3A_124 = tpu.bitcast %shift_left3A_123 : vector<1024x128xi32> -> vector<1024x128xf32>
    %convert_element_type3A_125 = arith.truncf %bitcast_convert_type3A_124 : vector<1024x128xf32> to vector<1024x128xbf16>
    %and3A_126 = arith.constant -65536 : i32
    %and3A_127 = vector.broadcast %and3A_126 : i32 to vector<1024x128xi32>
    %and3A_128 = arith.andi %get3A_120, %and3A_127 : vector<1024x128xi32>
    %bitcast_convert_type3A_129 = tpu.bitcast %and3A_128 : vector<1024x128xi32> -> vector<1024x128xf32>
    %convert_element_type3A_130 = arith.truncf %bitcast_convert_type3A_129 : vector<1024x128xf32> to vector<1024x128xbf16>
    %get3A_131 = arith.constant 4 : index
    %get3A_132 = arith.constant 0 : index
    %get3A_133 = arith.constant 0 : index
    %get3A_134 = vector.load %arg2[%get3A_131, %get3A_132, %get3A_133] : memref<13x128x128xbf16, #tpu.memory_space<vmem>>, vector<1x128x128xbf16>
    %get3A_135 = vector.shape_cast %get3A_134 : vector<1x128x128xbf16> to vector<128x128xbf16>
    %dot_general3A_136 = arith.constant dense<0.000000e+00> : vector<1024x128xf32>
    %dot_general3A_137 = tpu.matmul %convert_element_type3A_125, %get3A_135, %dot_general3A_136 {dimension_numbers = #tpu.dot_dimension_numbers<[1], [0], [0], [1], [0, 0, 1, 1], [], []>, transpose_lhs_hint = false} : vector<1024x128xbf16>, vector<128x128xbf16>, vector<1024x128xf32> -> vector<1024x128xf32>
    %get3A_138 = arith.constant 4 : index
    %get3A_139 = arith.constant 0 : index
    %get3A_140 = arith.constant 0 : index
    %get3A_141 = vector.load %arg3[%get3A_138, %get3A_139, %get3A_140] : memref<13x128x128xbf16, #tpu.memory_space<vmem>>, vector<1x128x128xbf16>
    %get3A_142 = vector.shape_cast %get3A_141 : vector<1x128x128xbf16> to vector<128x128xbf16>
    %dot_general3A_143 = arith.constant dense<0.000000e+00> : vector<1024x128xf32>
    %dot_general3A_144 = tpu.matmul %convert_element_type3A_130, %get3A_142, %dot_general3A_143 {dimension_numbers = #tpu.dot_dimension_numbers<[1], [0], [0], [1], [0, 0, 1, 1], [], []>, transpose_lhs_hint = false} : vector<1024x128xbf16>, vector<128x128xbf16>, vector<1024x128xf32> -> vector<1024x128xf32>
    %add3A_145 = arith.addf %dot_general3A_137, %dot_general3A_144 : vector<1024x128xf32>
    %add3A_146 = arith.addf %add3A_115, %add3A_145 : vector<1024x128xf32>
    %get3A_147 = arith.constant 5 : index
    %get3A_148 = arith.constant 0 : index
    %get3A_149 = arith.constant 0 : index
    %get3A_150 = vector.load %arg1[%get3A_147, %get3A_148, %get3A_149] : memref<13x1024x128xi32, #tpu.memory_space<vmem>>, vector<1x1024x128xi32>
    %get3A_151 = vector.shape_cast %get3A_150 : vector<1x1024x128xi32> to vector<1024x128xi32>
    %shift_left3A_152 = arith.constant 16 : i32
    %shift_left3A_153 = vector.broadcast %shift_left3A_152 : i32 to vector<1024x128xi32>
    %shift_left3A_154 = arith.shli %get3A_151, %shift_left3A_153 : vector<1024x128xi32>
    %bitcast_convert_type3A_155 = tpu.bitcast %shift_left3A_154 : vector<1024x128xi32> -> vector<1024x128xf32>
    %convert_element_type3A_156 = arith.truncf %bitcast_convert_type3A_155 : vector<1024x128xf32> to vector<1024x128xbf16>
    %and3A_157 = arith.constant -65536 : i32
    %and3A_158 = vector.broadcast %and3A_157 : i32 to vector<1024x128xi32>
    %and3A_159 = arith.andi %get3A_151, %and3A_158 : vector<1024x128xi32>
    %bitcast_convert_type3A_160 = tpu.bitcast %and3A_159 : vector<1024x128xi32> -> vector<1024x128xf32>
    %convert_element_type3A_161 = arith.truncf %bitcast_convert_type3A_160 : vector<1024x128xf32> to vector<1024x128xbf16>
    %get3A_162 = arith.constant 5 : index
    %get3A_163 = arith.constant 0 : index
    %get3A_164 = arith.constant 0 : index
    %get3A_165 = vector.load %arg2[%get3A_162, %get3A_163, %get3A_164] : memref<13x128x128xbf16, #tpu.memory_space<vmem>>, vector<1x128x128xbf16>
    %get3A_166 = vector.shape_cast %get3A_165 : vector<1x128x128xbf16> to vector<128x128xbf16>
    %dot_general3A_167 = arith.constant dense<0.000000e+00> : vector<1024x128xf32>
    %dot_general3A_168 = tpu.matmul %convert_element_type3A_156, %get3A_166, %dot_general3A_167 {dimension_numbers = #tpu.dot_dimension_numbers<[1], [0], [0], [1], [0, 0, 1, 1], [], []>, transpose_lhs_hint = false} : vector<1024x128xbf16>, vector<128x128xbf16>, vector<1024x128xf32> -> vector<1024x128xf32>
    %get3A_169 = arith.constant 5 : index
    %get3A_170 = arith.constant 0 : index
    %get3A_171 = arith.constant 0 : index
    %get3A_172 = vector.load %arg3[%get3A_169, %get3A_170, %get3A_171] : memref<13x128x128xbf16, #tpu.memory_space<vmem>>, vector<1x128x128xbf16>
    %get3A_173 = vector.shape_cast %get3A_172 : vector<1x128x128xbf16> to vector<128x128xbf16>
    %dot_general3A_174 = arith.constant dense<0.000000e+00> : vector<1024x128xf32>
    %dot_general3A_175 = tpu.matmul %convert_element_type3A_161, %get3A_173, %dot_general3A_174 {dimension_numbers = #tpu.dot_dimension_numbers<[1], [0], [0], [1], [0, 0, 1, 1], [], []>, transpose_lhs_hint = false} : vector<1024x128xbf16>, vector<128x128xbf16>, vector<1024x128xf32> -> vector<1024x128xf32>
    %add3A_176 = arith.addf %dot_general3A_168, %dot_general3A_175 : vector<1024x128xf32>
    %add3A_177 = arith.addf %add3A_146, %add3A_176 : vector<1024x128xf32>
    %get3A_178 = arith.constant 6 : index
    %get3A_179 = arith.constant 0 : index
    %get3A_180 = arith.constant 0 : index
    %get3A_181 = vector.load %arg1[%get3A_178, %get3A_179, %get3A_180] : memref<13x1024x128xi32, #tpu.memory_space<vmem>>, vector<1x1024x128xi32>
    %get3A_182 = vector.shape_cast %get3A_181 : vector<1x1024x128xi32> to vector<1024x128xi32>
    %shift_left3A_183 = arith.constant 16 : i32
    %shift_left3A_184 = vector.broadcast %shift_left3A_183 : i32 to vector<1024x128xi32>
    %shift_left3A_185 = arith.shli %get3A_182, %shift_left3A_184 : vector<1024x128xi32>
    %bitcast_convert_type3A_186 = tpu.bitcast %shift_left3A_185 : vector<1024x128xi32> -> vector<1024x128xf32>
    %convert_element_type3A_187 = arith.truncf %bitcast_convert_type3A_186 : vector<1024x128xf32> to vector<1024x128xbf16>
    %and3A_188 = arith.constant -65536 : i32
    %and3A_189 = vector.broadcast %and3A_188 : i32 to vector<1024x128xi32>
    %and3A_190 = arith.andi %get3A_182, %and3A_189 : vector<1024x128xi32>
    %bitcast_convert_type3A_191 = tpu.bitcast %and3A_190 : vector<1024x128xi32> -> vector<1024x128xf32>
    %convert_element_type3A_192 = arith.truncf %bitcast_convert_type3A_191 : vector<1024x128xf32> to vector<1024x128xbf16>
    %get3A_193 = arith.constant 6 : index
    %get3A_194 = arith.constant 0 : index
    %get3A_195 = arith.constant 0 : index
    %get3A_196 = vector.load %arg2[%get3A_193, %get3A_194, %get3A_195] : memref<13x128x128xbf16, #tpu.memory_space<vmem>>, vector<1x128x128xbf16>
    %get3A_197 = vector.shape_cast %get3A_196 : vector<1x128x128xbf16> to vector<128x128xbf16>
    %dot_general3A_198 = arith.constant dense<0.000000e+00> : vector<1024x128xf32>
    %dot_general3A_199 = tpu.matmul %convert_element_type3A_187, %get3A_197, %dot_general3A_198 {dimension_numbers = #tpu.dot_dimension_numbers<[1], [0], [0], [1], [0, 0, 1, 1], [], []>, transpose_lhs_hint = false} : vector<1024x128xbf16>, vector<128x128xbf16>, vector<1024x128xf32> -> vector<1024x128xf32>
    %get3A_200 = arith.constant 6 : index
    %get3A_201 = arith.constant 0 : index
    %get3A_202 = arith.constant 0 : index
    %get3A_203 = vector.load %arg3[%get3A_200, %get3A_201, %get3A_202] : memref<13x128x128xbf16, #tpu.memory_space<vmem>>, vector<1x128x128xbf16>
    %get3A_204 = vector.shape_cast %get3A_203 : vector<1x128x128xbf16> to vector<128x128xbf16>
    %dot_general3A_205 = arith.constant dense<0.000000e+00> : vector<1024x128xf32>
    %dot_general3A_206 = tpu.matmul %convert_element_type3A_192, %get3A_204, %dot_general3A_205 {dimension_numbers = #tpu.dot_dimension_numbers<[1], [0], [0], [1], [0, 0, 1, 1], [], []>, transpose_lhs_hint = false} : vector<1024x128xbf16>, vector<128x128xbf16>, vector<1024x128xf32> -> vector<1024x128xf32>
    %add3A_207 = arith.addf %dot_general3A_199, %dot_general3A_206 : vector<1024x128xf32>
    %add3A_208 = arith.addf %add3A_177, %add3A_207 : vector<1024x128xf32>
    %get3A_209 = arith.constant 7 : index
    %get3A_210 = arith.constant 0 : index
    %get3A_211 = arith.constant 0 : index
    %get3A_212 = vector.load %arg1[%get3A_209, %get3A_210, %get3A_211] : memref<13x1024x128xi32, #tpu.memory_space<vmem>>, vector<1x1024x128xi32>
    %get3A_213 = vector.shape_cast %get3A_212 : vector<1x1024x128xi32> to vector<1024x128xi32>
    %shift_left3A_214 = arith.constant 16 : i32
    %shift_left3A_215 = vector.broadcast %shift_left3A_214 : i32 to vector<1024x128xi32>
    %shift_left3A_216 = arith.shli %get3A_213, %shift_left3A_215 : vector<1024x128xi32>
    %bitcast_convert_type3A_217 = tpu.bitcast %shift_left3A_216 : vector<1024x128xi32> -> vector<1024x128xf32>
    %convert_element_type3A_218 = arith.truncf %bitcast_convert_type3A_217 : vector<1024x128xf32> to vector<1024x128xbf16>
    %and3A_219 = arith.constant -65536 : i32
    %and3A_220 = vector.broadcast %and3A_219 : i32 to vector<1024x128xi32>
    %and3A_221 = arith.andi %get3A_213, %and3A_220 : vector<1024x128xi32>
    %bitcast_convert_type3A_222 = tpu.bitcast %and3A_221 : vector<1024x128xi32> -> vector<1024x128xf32>
    %convert_element_type3A_223 = arith.truncf %bitcast_convert_type3A_222 : vector<1024x128xf32> to vector<1024x128xbf16>
    %get3A_224 = arith.constant 7 : index
    %get3A_225 = arith.constant 0 : index
    %get3A_226 = arith.constant 0 : index
    %get3A_227 = vector.load %arg2[%get3A_224, %get3A_225, %get3A_226] : memref<13x128x128xbf16, #tpu.memory_space<vmem>>, vector<1x128x128xbf16>
    %get3A_228 = vector.shape_cast %get3A_227 : vector<1x128x128xbf16> to vector<128x128xbf16>
    %dot_general3A_229 = arith.constant dense<0.000000e+00> : vector<1024x128xf32>
    %dot_general3A_230 = tpu.matmul %convert_element_type3A_218, %get3A_228, %dot_general3A_229 {dimension_numbers = #tpu.dot_dimension_numbers<[1], [0], [0], [1], [0, 0, 1, 1], [], []>, transpose_lhs_hint = false} : vector<1024x128xbf16>, vector<128x128xbf16>, vector<1024x128xf32> -> vector<1024x128xf32>
    %get3A_231 = arith.constant 7 : index
    %get3A_232 = arith.constant 0 : index
    %get3A_233 = arith.constant 0 : index
    %get3A_234 = vector.load %arg3[%get3A_231, %get3A_232, %get3A_233] : memref<13x128x128xbf16, #tpu.memory_space<vmem>>, vector<1x128x128xbf16>
    %get3A_235 = vector.shape_cast %get3A_234 : vector<1x128x128xbf16> to vector<128x128xbf16>
    %dot_general3A_236 = arith.constant dense<0.000000e+00> : vector<1024x128xf32>
    %dot_general3A_237 = tpu.matmul %convert_element_type3A_223, %get3A_235, %dot_general3A_236 {dimension_numbers = #tpu.dot_dimension_numbers<[1], [0], [0], [1], [0, 0, 1, 1], [], []>, transpose_lhs_hint = false} : vector<1024x128xbf16>, vector<128x128xbf16>, vector<1024x128xf32> -> vector<1024x128xf32>
    %add3A_238 = arith.addf %dot_general3A_230, %dot_general3A_237 : vector<1024x128xf32>
    %add3A_239 = arith.addf %add3A_208, %add3A_238 : vector<1024x128xf32>
    %get3A_240 = arith.constant 8 : index
    %get3A_241 = arith.constant 0 : index
    %get3A_242 = arith.constant 0 : index
    %get3A_243 = vector.load %arg1[%get3A_240, %get3A_241, %get3A_242] : memref<13x1024x128xi32, #tpu.memory_space<vmem>>, vector<1x1024x128xi32>
    %get3A_244 = vector.shape_cast %get3A_243 : vector<1x1024x128xi32> to vector<1024x128xi32>
    %shift_left3A_245 = arith.constant 16 : i32
    %shift_left3A_246 = vector.broadcast %shift_left3A_245 : i32 to vector<1024x128xi32>
    %shift_left3A_247 = arith.shli %get3A_244, %shift_left3A_246 : vector<1024x128xi32>
    %bitcast_convert_type3A_248 = tpu.bitcast %shift_left3A_247 : vector<1024x128xi32> -> vector<1024x128xf32>
    %convert_element_type3A_249 = arith.truncf %bitcast_convert_type3A_248 : vector<1024x128xf32> to vector<1024x128xbf16>
    %and3A_250 = arith.constant -65536 : i32
    %and3A_251 = vector.broadcast %and3A_250 : i32 to vector<1024x128xi32>
    %and3A_252 = arith.andi %get3A_244, %and3A_251 : vector<1024x128xi32>
    %bitcast_convert_type3A_253 = tpu.bitcast %and3A_252 : vector<1024x128xi32> -> vector<1024x128xf32>
    %convert_element_type3A_254 = arith.truncf %bitcast_convert_type3A_253 : vector<1024x128xf32> to vector<1024x128xbf16>
    %get3A_255 = arith.constant 8 : index
    %get3A_256 = arith.constant 0 : index
    %get3A_257 = arith.constant 0 : index
    %get3A_258 = vector.load %arg2[%get3A_255, %get3A_256, %get3A_257] : memref<13x128x128xbf16, #tpu.memory_space<vmem>>, vector<1x128x128xbf16>
    %get3A_259 = vector.shape_cast %get3A_258 : vector<1x128x128xbf16> to vector<128x128xbf16>
    %dot_general3A_260 = arith.constant dense<0.000000e+00> : vector<1024x128xf32>
    %dot_general3A_261 = tpu.matmul %convert_element_type3A_249, %get3A_259, %dot_general3A_260 {dimension_numbers = #tpu.dot_dimension_numbers<[1], [0], [0], [1], [0, 0, 1, 1], [], []>, transpose_lhs_hint = false} : vector<1024x128xbf16>, vector<128x128xbf16>, vector<1024x128xf32> -> vector<1024x128xf32>
    %get3A_262 = arith.constant 8 : index
    %get3A_263 = arith.constant 0 : index
    %get3A_264 = arith.constant 0 : index
    %get3A_265 = vector.load %arg3[%get3A_262, %get3A_263, %get3A_264] : memref<13x128x128xbf16, #tpu.memory_space<vmem>>, vector<1x128x128xbf16>
    %get3A_266 = vector.shape_cast %get3A_265 : vector<1x128x128xbf16> to vector<128x128xbf16>
    %dot_general3A_267 = arith.constant dense<0.000000e+00> : vector<1024x128xf32>
    %dot_general3A_268 = tpu.matmul %convert_element_type3A_254, %get3A_266, %dot_general3A_267 {dimension_numbers = #tpu.dot_dimension_numbers<[1], [0], [0], [1], [0, 0, 1, 1], [], []>, transpose_lhs_hint = false} : vector<1024x128xbf16>, vector<128x128xbf16>, vector<1024x128xf32> -> vector<1024x128xf32>
    %add3A_269 = arith.addf %dot_general3A_261, %dot_general3A_268 : vector<1024x128xf32>
    %add3A_270 = arith.addf %add3A_239, %add3A_269 : vector<1024x128xf32>
    %get3A_271 = arith.constant 9 : index
    %get3A_272 = arith.constant 0 : index
    %get3A_273 = arith.constant 0 : index
    %get3A_274 = vector.load %arg1[%get3A_271, %get3A_272, %get3A_273] : memref<13x1024x128xi32, #tpu.memory_space<vmem>>, vector<1x1024x128xi32>
    %get3A_275 = vector.shape_cast %get3A_274 : vector<1x1024x128xi32> to vector<1024x128xi32>
    %shift_left3A_276 = arith.constant 16 : i32
    %shift_left3A_277 = vector.broadcast %shift_left3A_276 : i32 to vector<1024x128xi32>
    %shift_left3A_278 = arith.shli %get3A_275, %shift_left3A_277 : vector<1024x128xi32>
    %bitcast_convert_type3A_279 = tpu.bitcast %shift_left3A_278 : vector<1024x128xi32> -> vector<1024x128xf32>
    %convert_element_type3A_280 = arith.truncf %bitcast_convert_type3A_279 : vector<1024x128xf32> to vector<1024x128xbf16>
    %and3A_281 = arith.constant -65536 : i32
    %and3A_282 = vector.broadcast %and3A_281 : i32 to vector<1024x128xi32>
    %and3A_283 = arith.andi %get3A_275, %and3A_282 : vector<1024x128xi32>
    %bitcast_convert_type3A_284 = tpu.bitcast %and3A_283 : vector<1024x128xi32> -> vector<1024x128xf32>
    %convert_element_type3A_285 = arith.truncf %bitcast_convert_type3A_284 : vector<1024x128xf32> to vector<1024x128xbf16>
    %get3A_286 = arith.constant 9 : index
    %get3A_287 = arith.constant 0 : index
    %get3A_288 = arith.constant 0 : index
    %get3A_289 = vector.load %arg2[%get3A_286, %get3A_287, %get3A_288] : memref<13x128x128xbf16, #tpu.memory_space<vmem>>, vector<1x128x128xbf16>
    %get3A_290 = vector.shape_cast %get3A_289 : vector<1x128x128xbf16> to vector<128x128xbf16>
    %dot_general3A_291 = arith.constant dense<0.000000e+00> : vector<1024x128xf32>
    %dot_general3A_292 = tpu.matmul %convert_element_type3A_280, %get3A_290, %dot_general3A_291 {dimension_numbers = #tpu.dot_dimension_numbers<[1], [0], [0], [1], [0, 0, 1, 1], [], []>, transpose_lhs_hint = false} : vector<1024x128xbf16>, vector<128x128xbf16>, vector<1024x128xf32> -> vector<1024x128xf32>
    %get3A_293 = arith.constant 9 : index
    %get3A_294 = arith.constant 0 : index
    %get3A_295 = arith.constant 0 : index
    %get3A_296 = vector.load %arg3[%get3A_293, %get3A_294, %get3A_295] : memref<13x128x128xbf16, #tpu.memory_space<vmem>>, vector<1x128x128xbf16>
    %get3A_297 = vector.shape_cast %get3A_296 : vector<1x128x128xbf16> to vector<128x128xbf16>
    %dot_general3A_298 = arith.constant dense<0.000000e+00> : vector<1024x128xf32>
    %dot_general3A_299 = tpu.matmul %convert_element_type3A_285, %get3A_297, %dot_general3A_298 {dimension_numbers = #tpu.dot_dimension_numbers<[1], [0], [0], [1], [0, 0, 1, 1], [], []>, transpose_lhs_hint = false} : vector<1024x128xbf16>, vector<128x128xbf16>, vector<1024x128xf32> -> vector<1024x128xf32>
    %add3A_300 = arith.addf %dot_general3A_292, %dot_general3A_299 : vector<1024x128xf32>
    %add3A_301 = arith.addf %add3A_270, %add3A_300 : vector<1024x128xf32>
    %get3A_302 = arith.constant 10 : index
    %get3A_303 = arith.constant 0 : index
    %get3A_304 = arith.constant 0 : index
    %get3A_305 = vector.load %arg1[%get3A_302, %get3A_303, %get3A_304] : memref<13x1024x128xi32, #tpu.memory_space<vmem>>, vector<1x1024x128xi32>
    %get3A_306 = vector.shape_cast %get3A_305 : vector<1x1024x128xi32> to vector<1024x128xi32>
    %shift_left3A_307 = arith.constant 16 : i32
    %shift_left3A_308 = vector.broadcast %shift_left3A_307 : i32 to vector<1024x128xi32>
    %shift_left3A_309 = arith.shli %get3A_306, %shift_left3A_308 : vector<1024x128xi32>
    %bitcast_convert_type3A_310 = tpu.bitcast %shift_left3A_309 : vector<1024x128xi32> -> vector<1024x128xf32>
    %convert_element_type3A_311 = arith.truncf %bitcast_convert_type3A_310 : vector<1024x128xf32> to vector<1024x128xbf16>
    %and3A_312 = arith.constant -65536 : i32
    %and3A_313 = vector.broadcast %and3A_312 : i32 to vector<1024x128xi32>
    %and3A_314 = arith.andi %get3A_306, %and3A_313 : vector<1024x128xi32>
    %bitcast_convert_type3A_315 = tpu.bitcast %and3A_314 : vector<1024x128xi32> -> vector<1024x128xf32>
    %convert_element_type3A_316 = arith.truncf %bitcast_convert_type3A_315 : vector<1024x128xf32> to vector<1024x128xbf16>
    %get3A_317 = arith.constant 10 : index
    %get3A_318 = arith.constant 0 : index
    %get3A_319 = arith.constant 0 : index
    %get3A_320 = vector.load %arg2[%get3A_317, %get3A_318, %get3A_319] : memref<13x128x128xbf16, #tpu.memory_space<vmem>>, vector<1x128x128xbf16>
    %get3A_321 = vector.shape_cast %get3A_320 : vector<1x128x128xbf16> to vector<128x128xbf16>
    %dot_general3A_322 = arith.constant dense<0.000000e+00> : vector<1024x128xf32>
    %dot_general3A_323 = tpu.matmul %convert_element_type3A_311, %get3A_321, %dot_general3A_322 {dimension_numbers = #tpu.dot_dimension_numbers<[1], [0], [0], [1], [0, 0, 1, 1], [], []>, transpose_lhs_hint = false} : vector<1024x128xbf16>, vector<128x128xbf16>, vector<1024x128xf32> -> vector<1024x128xf32>
    %get3A_324 = arith.constant 10 : index
    %get3A_325 = arith.constant 0 : index
    %get3A_326 = arith.constant 0 : index
    %get3A_327 = vector.load %arg3[%get3A_324, %get3A_325, %get3A_326] : memref<13x128x128xbf16, #tpu.memory_space<vmem>>, vector<1x128x128xbf16>
    %get3A_328 = vector.shape_cast %get3A_327 : vector<1x128x128xbf16> to vector<128x128xbf16>
    %dot_general3A_329 = arith.constant dense<0.000000e+00> : vector<1024x128xf32>
    %dot_general3A_330 = tpu.matmul %convert_element_type3A_316, %get3A_328, %dot_general3A_329 {dimension_numbers = #tpu.dot_dimension_numbers<[1], [0], [0], [1], [0, 0, 1, 1], [], []>, transpose_lhs_hint = false} : vector<1024x128xbf16>, vector<128x128xbf16>, vector<1024x128xf32> -> vector<1024x128xf32>
    %add3A_331 = arith.addf %dot_general3A_323, %dot_general3A_330 : vector<1024x128xf32>
    %add3A_332 = arith.addf %add3A_301, %add3A_331 : vector<1024x128xf32>
    %get3A_333 = arith.constant 11 : index
    %get3A_334 = arith.constant 0 : index
    %get3A_335 = arith.constant 0 : index
    %get3A_336 = vector.load %arg1[%get3A_333, %get3A_334, %get3A_335] : memref<13x1024x128xi32, #tpu.memory_space<vmem>>, vector<1x1024x128xi32>
    %get3A_337 = vector.shape_cast %get3A_336 : vector<1x1024x128xi32> to vector<1024x128xi32>
    %shift_left3A_338 = arith.constant 16 : i32
    %shift_left3A_339 = vector.broadcast %shift_left3A_338 : i32 to vector<1024x128xi32>
    %shift_left3A_340 = arith.shli %get3A_337, %shift_left3A_339 : vector<1024x128xi32>
    %bitcast_convert_type3A_341 = tpu.bitcast %shift_left3A_340 : vector<1024x128xi32> -> vector<1024x128xf32>
    %convert_element_type3A_342 = arith.truncf %bitcast_convert_type3A_341 : vector<1024x128xf32> to vector<1024x128xbf16>
    %and3A_343 = arith.constant -65536 : i32
    %and3A_344 = vector.broadcast %and3A_343 : i32 to vector<1024x128xi32>
    %and3A_345 = arith.andi %get3A_337, %and3A_344 : vector<1024x128xi32>
    %bitcast_convert_type3A_346 = tpu.bitcast %and3A_345 : vector<1024x128xi32> -> vector<1024x128xf32>
    %convert_element_type3A_347 = arith.truncf %bitcast_convert_type3A_346 : vector<1024x128xf32> to vector<1024x128xbf16>
    %get3A_348 = arith.constant 11 : index
    %get3A_349 = arith.constant 0 : index
    %get3A_350 = arith.constant 0 : index
    %get3A_351 = vector.load %arg2[%get3A_348, %get3A_349, %get3A_350] : memref<13x128x128xbf16, #tpu.memory_space<vmem>>, vector<1x128x128xbf16>
    %get3A_352 = vector.shape_cast %get3A_351 : vector<1x128x128xbf16> to vector<128x128xbf16>
    %dot_general3A_353 = arith.constant dense<0.000000e+00> : vector<1024x128xf32>
    %dot_general3A_354 = tpu.matmul %convert_element_type3A_342, %get3A_352, %dot_general3A_353 {dimension_numbers = #tpu.dot_dimension_numbers<[1], [0], [0], [1], [0, 0, 1, 1], [], []>, transpose_lhs_hint = false} : vector<1024x128xbf16>, vector<128x128xbf16>, vector<1024x128xf32> -> vector<1024x128xf32>
    %get3A_355 = arith.constant 11 : index
    %get3A_356 = arith.constant 0 : index
    %get3A_357 = arith.constant 0 : index
    %get3A_358 = vector.load %arg3[%get3A_355, %get3A_356, %get3A_357] : memref<13x128x128xbf16, #tpu.memory_space<vmem>>, vector<1x128x128xbf16>
    %get3A_359 = vector.shape_cast %get3A_358 : vector<1x128x128xbf16> to vector<128x128xbf16>
    %dot_general3A_360 = arith.constant dense<0.000000e+00> : vector<1024x128xf32>
    %dot_general3A_361 = tpu.matmul %convert_element_type3A_347, %get3A_359, %dot_general3A_360 {dimension_numbers = #tpu.dot_dimension_numbers<[1], [0], [0], [1], [0, 0, 1, 1], [], []>, transpose_lhs_hint = false} : vector<1024x128xbf16>, vector<128x128xbf16>, vector<1024x128xf32> -> vector<1024x128xf32>
    %add3A_362 = arith.addf %dot_general3A_354, %dot_general3A_361 : vector<1024x128xf32>
    %add3A_363 = arith.addf %add3A_332, %add3A_362 : vector<1024x128xf32>
    %get3A_364 = arith.constant 12 : index
    %get3A_365 = arith.constant 0 : index
    %get3A_366 = arith.constant 0 : index
    %get3A_367 = vector.load %arg1[%get3A_364, %get3A_365, %get3A_366] : memref<13x1024x128xi32, #tpu.memory_space<vmem>>, vector<1x1024x128xi32>
    %get3A_368 = vector.shape_cast %get3A_367 : vector<1x1024x128xi32> to vector<1024x128xi32>
    %shift_left3A_369 = arith.constant 16 : i32
    %shift_left3A_370 = vector.broadcast %shift_left3A_369 : i32 to vector<1024x128xi32>
    %shift_left3A_371 = arith.shli %get3A_368, %shift_left3A_370 : vector<1024x128xi32>
    %bitcast_convert_type3A_372 = tpu.bitcast %shift_left3A_371 : vector<1024x128xi32> -> vector<1024x128xf32>
    %convert_element_type3A_373 = arith.truncf %bitcast_convert_type3A_372 : vector<1024x128xf32> to vector<1024x128xbf16>
    %and3A_374 = arith.constant -65536 : i32
    %and3A_375 = vector.broadcast %and3A_374 : i32 to vector<1024x128xi32>
    %and3A_376 = arith.andi %get3A_368, %and3A_375 : vector<1024x128xi32>
    %bitcast_convert_type3A_377 = tpu.bitcast %and3A_376 : vector<1024x128xi32> -> vector<1024x128xf32>
    %convert_element_type3A_378 = arith.truncf %bitcast_convert_type3A_377 : vector<1024x128xf32> to vector<1024x128xbf16>
    %get3A_379 = arith.constant 12 : index
    %get3A_380 = arith.constant 0 : index
    %get3A_381 = arith.constant 0 : index
    %get3A_382 = vector.load %arg2[%get3A_379, %get3A_380, %get3A_381] : memref<13x128x128xbf16, #tpu.memory_space<vmem>>, vector<1x128x128xbf16>
    %get3A_383 = vector.shape_cast %get3A_382 : vector<1x128x128xbf16> to vector<128x128xbf16>
    %dot_general3A_384 = arith.constant dense<0.000000e+00> : vector<1024x128xf32>
    %dot_general3A_385 = tpu.matmul %convert_element_type3A_373, %get3A_383, %dot_general3A_384 {dimension_numbers = #tpu.dot_dimension_numbers<[1], [0], [0], [1], [0, 0, 1, 1], [], []>, transpose_lhs_hint = false} : vector<1024x128xbf16>, vector<128x128xbf16>, vector<1024x128xf32> -> vector<1024x128xf32>
    %get3A_386 = arith.constant 12 : index
    %get3A_387 = arith.constant 0 : index
    %get3A_388 = arith.constant 0 : index
    %get3A_389 = vector.load %arg3[%get3A_386, %get3A_387, %get3A_388] : memref<13x128x128xbf16, #tpu.memory_space<vmem>>, vector<1x128x128xbf16>
    %get3A_390 = vector.shape_cast %get3A_389 : vector<1x128x128xbf16> to vector<128x128xbf16>
    %dot_general3A_391 = arith.constant dense<0.000000e+00> : vector<1024x128xf32>
    %dot_general3A_392 = tpu.matmul %convert_element_type3A_378, %get3A_390, %dot_general3A_391 {dimension_numbers = #tpu.dot_dimension_numbers<[1], [0], [0], [1], [0, 0, 1, 1], [], []>, transpose_lhs_hint = false} : vector<1024x128xbf16>, vector<128x128xbf16>, vector<1024x128xf32> -> vector<1024x128xf32>
    %add3A_393 = arith.addf %dot_general3A_385, %dot_general3A_392 : vector<1024x128xf32>
    %add3A_394 = arith.addf %add3A_363, %add3A_393 : vector<1024x128xf32>
    %get3A_395 = arith.constant 0 : index
    %get3A_396 = arith.constant 0 : index
    %get3A_397 = vector.load %arg4[%get3A_395, %get3A_396] : memref<1x128xf32, #tpu.memory_space<vmem>>, vector<1x128xf32>
    %add3A_398 = vector.broadcast %get3A_397 : vector<1x128xf32> to vector<1024x128xf32>
    %add3A_399 = arith.addf %add3A_394, %add3A_398 : vector<1024x128xf32>
    %max3A = arith.constant 0.000000e+00 : f32
    %max3A_400 = vector.broadcast %max3A : f32 to vector<1024x128xf32>
    %max3A_401 = arith.maximumf %add3A_399, %max3A_400 : vector<1024x128xf32>
    %get3A_402 = arith.constant 0 : index
    %get3A_403 = arith.constant 0 : index
    %get3A_404 = vector.load %arg5[%get3A_402, %get3A_403] : memref<128x64xf32, #tpu.memory_space<vmem>>, vector<128x64xf32>
    %dot_general3A_405 = arith.constant dense<0.000000e+00> : vector<1024x64xf32>
    %dot_general3A_406 = tpu.matmul %max3A_401, %get3A_404, %dot_general3A_405 {dimension_numbers = #tpu.dot_dimension_numbers<[1], [0], [0], [1], [0, 0, 1, 1], [], []>, transpose_lhs_hint = false} : vector<1024x128xf32>, vector<128x64xf32>, vector<1024x64xf32> -> vector<1024x64xf32>
    %get3A_407 = arith.constant 0 : index
    %get3A_408 = arith.constant 0 : index
    %get3A_409 = vector.load %arg6[%get3A_407, %get3A_408] : memref<1x64xf32, #tpu.memory_space<vmem>>, vector<1x64xf32>
    %add3A_410 = vector.broadcast %get3A_409 : vector<1x64xf32> to vector<1024x64xf32>
    %add3A_411 = arith.addf %dot_general3A_406, %add3A_410 : vector<1024x64xf32>
    %max3A_412 = arith.constant 0.000000e+00 : f32
    %max3A_413 = vector.broadcast %max3A_412 : f32 to vector<1024x64xf32>
    %max3A_414 = arith.maximumf %add3A_411, %max3A_413 : vector<1024x64xf32>
    %get3A_415 = arith.constant 0 : index
    %get3A_416 = arith.constant 0 : index
    %get3A_417 = vector.load %arg7[%get3A_415, %get3A_416] : memref<64x2xf32, #tpu.memory_space<vmem>>, vector<64x2xf32>
    %dot_general3A_418 = arith.constant dense<0.000000e+00> : vector<1024x2xf32>
    %dot_general3A_419 = tpu.matmul %max3A_414, %get3A_417, %dot_general3A_418 {dimension_numbers = #tpu.dot_dimension_numbers<[1], [0], [0], [1], [0, 0, 1, 1], [], []>, transpose_lhs_hint = false} : vector<1024x64xf32>, vector<64x2xf32>, vector<1024x2xf32> -> vector<1024x2xf32>
    %get3A_420 = arith.constant 0 : index
    %get3A_421 = arith.constant 0 : index
    %get3A_422 = vector.load %arg8[%get3A_420, %get3A_421] : memref<1x2xf32, #tpu.memory_space<vmem>>, vector<1x2xf32>
    %add3A_423 = vector.broadcast %get3A_422 : vector<1x2xf32> to vector<1024x2xf32>
    %add3A_424 = arith.addf %dot_general3A_419, %add3A_423 : vector<1024x2xf32>
    %swap3A = arith.constant 0 : index
    %swap3A_425 = arith.constant 0 : index
    %swap3A_426 = vector.load %arg9[%swap3A, %swap3A_425] : memref<1024x2xf32, #tpu.memory_space<vmem>>, vector<1024x2xf32>
    tpu.vector_store %arg9[%swap3A, %swap3A_425], %add3A_424 {strides = array<i32>} : memref<1024x2xf32, #tpu.memory_space<vmem>>, vector<1024x2xf32>,
    return
  }
  func.func @transform_0(%arg0: i32) -> (i32, i32, i32) {
    %c0_i32 = arith.constant 0 : i32
    %c0_i32_0 = arith.constant 0 : i32
    %c0_i32_1 = arith.constant 0 : i32
    return %c0_i32, %arg0, %c0_i32_0 : i32, i32, i32
  }
  func.func @transform_1(%arg0: i32) -> (i32, i32, i32) {
    %c0_i32 = arith.constant 0 : i32
    %c0_i32_0 = arith.constant 0 : i32
    %c0_i32_1 = arith.constant 0 : i32
    %c0_i32_2 = arith.constant 0 : i32
    return %c0_i32, %c0_i32_0, %c0_i32_1 : i32, i32, i32
  }
  func.func @transform_2(%arg0: i32) -> (i32, i32, i32) {
    %c0_i32 = arith.constant 0 : i32
    %c0_i32_0 = arith.constant 0 : i32
    %c0_i32_1 = arith.constant 0 : i32
    %c0_i32_2 = arith.constant 0 : i32
    return %c0_i32, %c0_i32_0, %c0_i32_1 : i32, i32, i32
  }
  func.func @transform_3(%arg0: i32) -> (i32, i32) {
    %c0_i32 = arith.constant 0 : i32
    %c0_i32_0 = arith.constant 0 : i32
    %c0_i32_1 = arith.constant 0 : i32
    return %c0_i32, %c0_i32_0 : i32, i32
  }
  func.func @transform_4(%arg0: i32) -> (i32, i32) {
    %c0_i32 = arith.constant 0 : i32
    %c0_i32_0 = arith.constant 0 : i32
    %c0_i32_1 = arith.constant 0 : i32
    return %c0_i32, %c0_i32_0 : i32, i32
  }
  func.func @transform_5(%arg0: i32) -> (i32, i32) {
    %c0_i32 = arith.constant 0 : i32
    %c0_i32_0 = arith.constant 0 : i32
    %c0_i32_1 = arith.constant 0 : i32
    return %c0_i32, %c0_i32_0 : i32, i32
  }
  func.func @transform_6(%arg0: i32) -> (i32, i32) {
    %c0_i32 = arith.constant 0 : i32
    %c0_i32_0 = arith.constant 0 : i32
    %c0_i32_1 = arith.constant 0 : i32
    return %c0_i32, %c0_i32_0 : i32, i32
  }
  func.func @transform_7(%arg0: i32) -> (i32, i32) {
    %c0_i32 = arith.constant 0 : i32
    %c0_i32_0 = arith.constant 0 : i32
    %c0_i32_1 = arith.constant 0 : i32
    return %c0_i32, %c0_i32_0 : i32, i32
  }
  func.func @transform_8(%arg0: i32) -> (i32, i32) {
    %c0_i32 = arith.constant 0 : i32
    %c0_i32_0 = arith.constant 0 : i32
    return %arg0, %c0_i32 : i32, i32
  }
}

</mosaic_0001>

<sc_bundles>
// kernel: kernel.4.cloned.1.call-start
scs
__scs_entry_jumppad:
0x0: {  	(pc) =	sbr.rel $0x88, $3  }
0x1: {  	(tag) =	ssettag $0x0;
	lr =	simm.s32 $0x1  }
0x2: {  	[smem:$0x3F99] =	sst lr;
	_ =	strace $0xD0000000  }
0x3: {  	_ = 	snop  }
0x4: {  	_ = 	snop  }
0x5: {  	_ = 	snop  }
0x6: {  	_ = 	snop  }
0x7: {  	_ = 	snop  }
__scs_overlays_trampoline_lowered:
0x8: {  	[smem:$0x3FA8] =	sst s0  }
0x9: {  	[smem:$0x3FA9] =	sst s1  }
0xa: {  	[smem:$0x3FAA] =	sst s2  }
0xb: {  	[smem:$0x3FAB] =	sst s3  }
0xc: {  	[smem:$0x3FAC] =	sst s4  }
0xd: {  	[smem:$0x3FAD] =	sst s5  }
0xe: {  	[smem:$0x3FAE] =	sst s6  }
0xf: {  	[smem:$0x3FAF] =	sst s7  }
0x10: {  	[smem:$0x3FB0] =	sst s8  }
0x11: {  	[smem:$0x3FB1] =	sst s9;
	s0 =	simm.s32 @!p0 $0x0  }
0x12: {  	s1 =	sld [smem:$0x3F97];
	s0 =	simm.s32 @p0 $0x1  }
0x13: {  	[smem:$0x3FB2] =	sst s0;
	s0 =	simm.s32 @!p1 $0x0  }
0x14: {  	s2 =	sld [smem:$0x3F96];
	s0 =	simm.s32 @p1 $0x1  }
0x15: {  	[smem:$0x3FB3] =	sst s0;
	s0 =	simm.s32 @!p2 $0x0  }
0x16: {  	s3 =	sld [smem:$0x3FDB];
	s0 =	simm.s32 @p2 $0x1  }
0x17: {  	s4 =	simm.s32 $0x1BF5;
	[smem:$0x3FB5] =	sst s0  }
0x18: {  	s0 =	sld [smem:$0x3F98];
	_ =	swait.ge [sflag:s4], $0x0  }
0x19: {  	s7 =	sld [smem:$0x3F99]  }
0x1a: {  	s8 =	sadd.s32 $0xFFFFE003, lr  }
0x1b: {  	s9 =	sadd.s32 $0xFFFFFEF7, lr;
	s5 =	simm.s32 $0xFFFFFFFF;
	p2 =	slt.u32 s8, $0xFFFFF086  }
0x1c: {  	p1 =	slt.u32 s9, $0xF7A;
	s5 =	simm.s32 @!p2 $0x0  }
0x1d: {  	s5 =	simm.s32 @p1 $0x1;
	p0 =	seq.s32 s7, s2  }
0x1e: {  	s7 =	smul.u32 @!p0 $0xF7A, s2;
	p2 =	seq.s32 @!p0 s5, $0x0  }
0x1f: {  	s9 =	smul.u32 $0xF7A, s1;
	s8 =	simm.s32 @!p0 $0x1BF5;
	p2 =	por !p2, p0  }
0x20: {  	[sflag:s8] =	ssyncset.s32 @!p0 $0xFFFFF086;
	s6 =	sadd.s32 @!p0 s3, s7;
	s7 =	simm.s32 @!p0 $0x108  }
0x21: {  	s3 =	sadd.s32 s3, s9;
	s6 =	sadd.s32 @!p0 $0x88, s6;
	s7 =	simm.s32 @p2 $0x1082  }
0x22: {  	[simem:s7], [sflag:s8] =	dma.local @!p0 [hbm:s6], $0xF7A  }
0x23: {  	s9 =	sor.u32 $0xD0000000, s2;
	s6 =	simm.s32 $0x108;
	_ =	swait.ge @!p0 [sflag:s8], $0x0  }
0x24: {  	s3 =	sadd.s32 $0x88, s3;
	s6 =	simm.s32 @!p1 $0x1082;
	[sflag:s4] =	ssyncset.s32 $0xFFFFF086  }
0x25: {  	[simem:s6], [sflag:s4] =	dma.local [hbm:s3], $0xF7A  }
0x26: {  	[smem:$0x3F99] =	sst s1;
	(tag) =	ssettag s2;
	_ =	strace s9  }
0x27: {  	s1 =	sld [smem:$0x3FA9]  }
0x28: {  	s2 =	sld [smem:$0x3FAA]  }
0x29: {  	s4 =	sld [smem:$0x3FAC]  }
0x2a: {  	p0 =	seq.s32 s5, $0x0;
	s5 =	sld [smem:$0x3FAD]  }
0x2b: {  	s6 =	sld [smem:$0x3FAE]  }
0x2c: {  	s7 =	sld [smem:$0x3FAF]  }
0x2d: {  	s3 =	simm.s32 $0x108;
	s8 =	sld [smem:$0x3FB0]  }
0x2e: {  	s3 =	simm.s32 @!p0 $0x1082;
	s9 =	sld [smem:$0x3FB1]  }
0x2f: {  	lr =	sadd.s32 s0, s3;
	s0 =	sld [smem:$0x3FA8]  }
0x30: {  	s3 =	sld [smem:$0x3FAB]  }
0x31: {  	[smem:$0x3FB4] =	sst s10  }
0x32: {  	s10 =	sld [smem:$0x3FB2];
	_ =	sdelay $0x3  }
0x33: {  	p0 =	seq.s32 s10, $0x1;
	s10 =	sld [smem:$0x3FB4];
	_ =	sdelay $0x3  }
0x34: {  	[smem:$0x3FB4] =	sst s10  }
0x35: {  	s10 =	sld [smem:$0x3FB3];
	_ =	sdelay $0x3  }
0x36: {  	p1 =	seq.s32 s10, $0x1;
	s10 =	sld [smem:$0x3FB4];
	_ =	sdelay $0x3  }
0x37: {  	[smem:$0x3FB4] =	sst s10  }
0x38: {  	s10 =	sld [smem:$0x3FB5]  }
0x39: {  	_ = 	snop;
	(pc) =	sbr.ind lr, $3  }
0x3a: {  	_ = 	snop  }
0x3b: {  	_ = 	snop  }
0x3c: {  	p2 =	seq.s32 s10, $0x1;
	s10 =	sld [smem:$0x3FB4]  }
0x3d: {  	_ =	shalt  }
0x3e: {  	_ =	shalt  }
0x3f: {  	_ =	shalt  }
0x40: {  	_ =	shalt  }
0x41: {  	_ =	shalt  }
0x42: {  	_ =	shalt  }
0x43: {  	_ =	shalt  }
0x44: {  	_ =	shalt  }
0x45: {  	_ =	shalt  }
0x46: {  	_ =	shalt  }
0x47: {  	_ =	shalt  }
0x48: {  	_ =	shalt  }
0x49: {  	_ =	shalt  }
0x4a: {  	_ =	shalt  }
0x4b: {  	_ =	shalt  }
0x4c: {  	_ =	shalt  }
0x4d: {  	_ =	shalt  }
0x4e: {  	_ =	shalt  }
0x4f: {  	_ =	shalt  }
0x50: {  	_ =	shalt  }
0x51: {  	_ =	shalt  }
0x52: {  	_ =	shalt  }
0x53: {  	_ =	shalt  }
0x54: {  	_ =	shalt  }
0x55: {  	_ =	shalt  }
0x56: {  	_ =	shalt  }
0x57: {  	_ =	shalt  }
0x58: {  	_ =	shalt  }
0x59: {  	_ =	shalt  }
0x5a: {  	_ =	shalt  }
0x5b: {  	_ =	shalt  }
0x5c: {  	_ =	shalt  }
0x5d: {  	_ =	shalt  }
0x5e: {  	_ =	shalt  }
0x5f: {  	_ =	shalt  }
0x60: {  	_ =	shalt  }
0x61: {  	_ =	shalt  }
0x62: {  	_ =	shalt  }
0x63: {  	_ =	shalt  }
0x64: {  	_ =	shalt  }
0x65: {  	_ =	shalt  }
0x66: {  	_ =	shalt  }
0x67: {  	_ =	shalt  }
0x68: {  	_ =	shalt  }
0x69: {  	_ =	shalt  }
0x6a: {  	_ =	shalt  }
0x6b: {  	_ =	shalt  }
0x6c: {  	_ =	shalt  }
0x6d: {  	_ =	shalt  }
0x6e: {  	_ =	shalt  }
0x6f: {  	_ =	shalt  }
0x70: {  	_ =	shalt  }
0x71: {  	_ =	shalt  }
0x72: {  	_ =	shalt  }
0x73: {  	_ =	shalt  }
0x74: {  	_ =	shalt  }
0x75: {  	_ =	shalt  }
0x76: {  	_ =	shalt  }
0x77: {  	_ =	shalt  }
0x78: {  	_ =	shalt  }
0x79: {  	_ =	shalt  }
0x7a: {  	_ =	shalt  }
0x7b: {  	_ =	shalt  }
0x7c: {  	_ =	shalt  }
0x7d: {  	_ =	shalt  }
0x7e: {  	_ =	shalt  }
0x7f: {  	_ =	shalt  }
0x80: {  	_ =	shalt  }
0x81: {  	_ =	shalt  }
0x82: {  	_ =	shalt  }
0x83: {  	_ =	shalt  }
0x84: {  	_ =	shalt  }
0x85: {  	_ =	shalt  }
0x86: {  	_ =	shalt  }
0x87: {  	_ =	shalt  }
.Lfunc_end0:
.L_simem_size_0:
called_computation_lowered:
.L_overlay_start_0:
0x88: {  	s2 =	sld [smem:$0x3FD9]  }
0x89: {  	s3 =	sld [smem:$0x3FFE];
	_ =	sdelay $0x1  }
0x8a: {  	s1 =	srdreg.scid  }
0x8b: {  	s0 =	sand.u32 $0x1, s1  }
0x8c: {  	s16 =	sshll.u32 s0, $0xA;
	s2 =	sadd.s32 s3, s2  }
0x8d: {  	s2 =	sadd.s32 s2, s16  }
0x8e: {  	[smem:$0x3FC0] =	sst s2  }
0x8f: {  	_ = 	snop  }
0x90: {  	(tm) =	ssettm $0x1  }
0x91: {  	s17 =	sld [smem:$0x3FFB];
	_ =	sdelay $0x3  }
0x92: {  	_ =	strace s17  }
0x93: {  	s2 =	sld [smem:$0x3FFC];
	_ =	sdelay $0x3  }
0x94: {  	_ =	strace s2  }
0x95: {  	s2 =	sld [smem:$0x3FFD];
	_ =	sdelay $0x3  }
0x96: {  	_ =	strace s2  }
0x97: {  	_ =	strace $0x8FFFFFFF  }
0x98: {  	s18 =	sld [smem:$0x3FDB];
	_ =	sdelay $0x1  }
0x99: {  	s19 =	simm.s32 $_scs_section_size  }
0x9a: {  	s4 =	simm.s32 $_size__tile_overlayer_lowered;
	s5 =	simm.s32 $_tile_overlayer_lowered  }
0x9b: {  	s22 =	simm.s32 $0x1BFF;
	s21 =	sshll.u32 s5, $0x1;
	s2 =	sadd.s32 s19, s18  }
0x9c: {  	s6 =	simm.s32 $0x0;
	s20 =	sshll.u32 s4, $0x1;
	s4 =	sadd.s32 s21, s2  }
0x9d: {  	[timem:s6], [sflag:s22] =	dma.local [hbm:s4], s20  }
0x9e: {  	_ =	swait.ge [sflag:s22], s20  }
0x9f: {  	s3 =	ssub.s32 $0x0, s20;
	[sflag:s22] =	ssyncset.done $0x0  }
0xa0: {  	[sflag:s22] =	ssyncadd.s32 s3;
	_ =	sdelay $0x1  }
0xa1: {  	s23 =	simm.s32 $0x1B8B  }
0xa2: {  	_ =	swait.ge [sflag:s23], $0x1  }
0xa3: {  	[sflag:s23] =	ssyncset.done $0x0  }
0xa4: {  	s25 =	simm.s32 $0x1B8E;
	s24 =	sld [smem:$0x3FFE];
	[sflag:s23] =	ssyncadd.s32 $0xFFFFFFFF  }
0xa5: {  	s26 =	simm.s32 $execute0_lowered;
	[smem:$0x3FD2] =	sst s25  }
0xa6: {  	s4 =	sshll.u32 s26, $0x1;
	_ =	strace $0x80000046;
	[dreg:$0x1] =	wrdreg $0xFFFFFFFF  }
0xa7: {  	s28 =	simm.s32 $_size_execute0_lowered;
	s2 =	sadd.s32 s2, s4;
	[dreg:$0x0] =	wrdreg $0x0  }
0xa8: {  	s4 =	sshll.u32 s28, $0x1;
	[dreg:$0x2] =	wrdreg s2  }
0xa9: {  	[dreg:$0x3] =	wrdreg s4  }
0xaa: {  	[dreg:$0x4] =	wrdreg $0xC0  }
0xab: {  	_ =	task [dreg:s6], $0x5FFFF  }
0xac: {  	[dreg:$0x1] =	wrdreg $0xFFFFFFFF  }
0xad: {  	[dreg:$0x0] =	wrdreg $0x60  }
0xae: {  	[dreg:$0x2] =	wrdreg s24  }
0xaf: {  	[dreg:$0x3] =	wrdreg $0x150200  }
0xb0: {  	[dreg:$0x4] =	wrdreg $0x9  }
0xb1: {  	_ =	task.clear_ibuf [dreg:s6], $0x5FFFF;
	_ =	strace $0x90000046  }
0xb2: {  	s29 =	simm.s32 $0x9;
	_ =	strace $0x80000048  }
0xb3: {  	_ =	swait.ge [sflag:s29], $0x1  }
0xb4: {  	[sflag:s29] =	ssyncadd.s32 $0xFFFFFFFF  }
0xb5: {  	_ =	strace $0x90000048  }
0xb6: {  	_ =	sfence  }
0xb7: {  	s30 =	sld [smem:$0x0];
	_ =	sdelay $0x2  }
0xb8: {  	s31 =	sshll.u32 s1, $0xD;
	s1 =	sshrl.u32 s1, $0x2  }
0xb9: {  	s3 =	sand.u32 $0x4000, s31;
	s1 =	sadd.s32 s1, s30  }
0xba: {  	s0 =	sor.u32 s3, s0;
	s1 =	sshll.u32 s1, $0x11  }
0xbb: {  	s0 =	sor.u32 s1, s0  }
0xbc: {  	s0 =	sadd.s32 $0x8F2B, s0  }
0xbd: {  	[sflag:s0] =	ssyncadd.remote.s32 $0x1  }
0xbe: {  	_ =	sfence.sel $0xFFFF  }
0xbf: {  	[dreg:$0x0] =	wrdreg $0xFFFFFFFF;
	(pc) =	sbr.abs _section_cstart, $3  }
0xc0: {  	[dreg:$0x1] =	wrdreg $0xFFFFFFFF  }
0xc1: {  	_ =	task.clear_ibuf [dreg:s6], $0x2FFFF;
	_ =	strace $0x9FFFFFFF  }
0xc2: {  	(tm) =	ssettm $0x7FFFFFFF  }
0xc3: {  	_ =	shalt  }
tec
execute0_lowered:
.L_overlay_start_1:
0x0: {  	(tag) =	ssettag $0x1  }
0x1: {  	s5 =	rddreg [dreg:$0x0]  }
0x2: {  	s1 =	rddreg [dreg:$0x1]  }
0x3: {  	s3 =	srdreg.scid;
	s8 =	stileid.u32  }
0x4: {  	s2 =	simm.s32 $0x0;
	s12 =	simm.s32 $0xC8;
	s14 =	simm.s32 $0x1  }
0x5: {  	s15 =	simm.s32 $0x800;
	s16 =	simm.s32 $0x4010;
	s17 =	simm.s32 $0x5020  }
0x6: {  	s18 =	simm.s32 $0x3;
	s19 =	simm.s32 $0x2;
	s20 =	simm.s32 $0x4818  }
0x7: {  	s21 =	simm.s32 $0xD020;
	s22 =	simm.s32 $0x4;
	s23 =	simm.s32 $0x5  }
0x8: {  	s24 =	simm.s32 $0x6;
	s25 =	simm.s32 $0x0;
	s6 =	sand.u32 $0x1, s3  }
0x9: {  	s31 =	sshll.u32 s8, $0x1;
	[smem:$0x7FF] =	sst s2;
	s3 =	sadd.s32 $0x1C00, s5  }
0xa: {  	s4 =	sadd.s32 $0x65C00, s5;
	s5 =	sadd.s32 $0x79600, s5;
	s9 =	sor.u32 s6, s31  }
0xb: {  	p0 =	sne.s32 s8, $0x0;
	s10 =	ssub.s32 $0x2, s6;
	s7 =	smul.u32 $0x3200, s9  }
0xc: {  	_ =	strace $0x80000047;
	s11 =	sshrl.u32 s10, $0x1;
	s8 =	sshll.u32 s9, $0x1  }
0xd: {  	s10 =	ssub.s32 s10, s11;
	s11 =	simm.s32 $0x10;
	s6 =	sadd.s32 s3, s7  }
0xe: {  	s9 =	smax.u32 s10, $0x1;
	s10 =	sshrl.u32 @!p0 s1, $0x3;
	s7 =	sadd.s32 $0x2, s6  }
.LBB2_1:
0xf: {  	s26 =	simm.s32 @!p0 $0x1C07  }
0x10: {  	[spmem:s10], [sflag:s26] =	dma.local @!p0 [hbm:s4], $0x13880  }
0x11: {  	s26 =	simm.s32 @!p0 $0x7  }
0x12: {  	_ =	swait.ge @!p0 [sflag:s26], $0x13880  }
0x13: {  	[sflag:s26] =	ssyncset.done @!p0 $0x0  }
0x14: {  	[sflag:s26] =	ssyncadd.s32 @!p0 $0xFFFEC780  }
0x15: {  	[bflag:$0x0] =	sbarrier.arrive $0xFFFF  }
0x16: {  	[tilespmem:s2], [sflag:$0x1] =	stream.strided.gather [hbm4b:s6+s11], $0x1000, s12, s11, $0x38;
	[tilespmem:$0x1EC60] =	vst v63  }
0x17: {  	s0 =	simm.s32 $0x1000;
	s26 =	simm.s32 $0x0  }
0x18: {  	[tilespmem:s0], [sflag:$0x2] =	stream.strided.gather [hbm4b:s7+s11], $0x1000, s12, s11, $0x38;
	[tilespmem:$0x1EC60] =	vst v63  }
.LBB2_2:
0x19: {  	_ =	swait.ge [sflag:s14], $0x1000  }
0x1a: {  	[sflag:s14] =	ssyncset.done $0x0  }
0x1b: {  	s28 =	simm.s32 $0x0;
	[sflag:s14] =	ssyncadd.s32 $0xFFFFF000  }
0x1c: {  	s29 =	simm.s32 $0x0;
	s30 =	simm.s32 $0x40;
	v0 =	vld [tilespmem:s28+$0x0]  }
.LBB2_3:
0x1d: {  	p1 =	sne.s32 s30, $0x3FC0  }
.Ltmp0:
0x1e: {  	_ = 	snop;
	(pc) =	sbr.rel @p1 .LBB2_3-.Ltmp0, $3  }
0x1f: {  	_ =	sdelay $0x1  }
0x20: {  	[tilespmem:s28+$0x2000] =	vst v0;
	s28 =	sshra.s32 s30, $0x2;
	s30 =	sadd.s32 $0x40, s30  }
0x21: {  	v0 =	vld [tilespmem:s28+$0x0]  }
0x22: {  	_ =	sdelay $0x3  }
0x23: {  	s30 =	simm.s32 $0x2008;
	[tilespmem:s28+$0x2000] =	vst v0  }
0x24: {  	s28 =	simm.s32 $0x20;
	v0 =	vld [tilespmem:s30+$0xFFFFFFF8]  }
.LBB2_5:
0x25: {  	p1 =	sne.s32 s28, $0x1FE0  }
0x26: {  	v1 =	vld [tilespmem:s30+$0x0];
	_ =	sdelay $0x2  }
.Ltmp1:
0x27: {  	v0 =	vmul.u32 $0xC8, v0;
	(pc) =	sbr.rel @p1 .LBB2_5-.Ltmp1, $4  }
0x28: {  	_ = 	snop  }
0x29: {  	s31 =	sshra.s32 s29, $0x2;
	s29 =	smov.u32 s28;
	v0 =	vadd.s32 v1, v0  }
0x2a: {  	s30 =	sadd.s32 $0x10, s30;
	[tilespmem:s31+$0x4010] =	vst v0  }
0x2b: {  	s28 =	sadd.s32 $0x20, s28;
	v0 =	vld [tilespmem:s30+$0xFFFFFFF8]  }
0x2c: {  	s28 =	sshll.u32 s26, $0x1;
	p1 =	seq.s32 s26, $0xC  }
0x2d: {  	s31 =	sadd.s32 @!p1 $0x2, s28  }
0x2e: {  	s0 =	smulhi.u32 @!p1 $0x4EC4EC4F, s31;
	_ =	sdelay $0x1  }
0x2f: {  	s0 =	sshrl.u32 @!p1 s0, $0x2  }
0x30: {  	s13 =	smul.u32 @!p1 $0xD, s0  }
0x31: {  	v1 =	vld [tilespmem:s30+$0x0]  }
0x32: {  	p2 =	seq.s32 @!p1 s26, $0x0;
	s0 =	sadd.s32 @!p1 s8, s0;
	s13 =	ssub.s32 @!p1 s31, s13  }
0x33: {  	p2 =	por p1, !p2;
	s0 =	smul.u32 @!p1 $0xC800, s0;
	s13 =	sshll.u32 @!p1 s13, $0x4  }
.Ltmp2:
0x34: {  	v0 =	vmul.u32 $0xC8, v0;
	s13 =	smin.u32 @!p1 s13, $0xB8;
	(pc) =	sbr.rel @!p2 .LBB2_7-.Ltmp2, $4  }
0x35: {  	s0 =	sor.u32 @!p1 s13, s0  }
0x36: {  	s30 =	simm.s32 @!p1 $0x0;
	v0 =	vadd.s32 v1, v0;
	s31 =	sshra.s32 s29, $0x2;
	s0 =	sshrl.u32 @!p1 s0, $0x3  }
0x37: {  	s29 =	simm.s32 @!p1 $0xC8;
	[tilespmem:s31+$0x4010] =	vst v0;
	s13 =	simm.s32 @!p1 $0x10;
	s0 =	sadd.s32 @!p1 s3, s0  }
0x38: {  	[tilespmem:s30], [sflag:$0x1] =	stream.strided.gather @!p1 [hbm4b:s0+s13], $0x1000, s29, s13, $0x38;
	[tilespmem:$0x1EC60] =	vst v63  }
.Ltmp3:
0x39: {  	(pc) =	sbr.rel .LBB2_9-.Ltmp3, $4  }
0x3a: {  	_ = 	snop  }
0x3b: {  	_ =	swait.ge [sflag:s23], $0x8000  }
0x3c: {  	[sflag:s23] =	ssyncset.done $0x0  }
0x3d: {  	p2 =	por $0x0, $0x0;
	[sflag:s23] =	ssyncadd.s32 $0xFFFF8000  }
.LBB2_7:
0x3e: {  	p2 =	por @!p1 $0x1, $0x1  }
.LBB2_9:
0x3f: {  	[tilespmem:s17], [sflag:$0x3] =	stream.indirect.gather [spmem:s1], $0x10, s16, s15, $0xb8;
	[tilespmem:$0x1EC60] =	vst v63  }
0x40: {  	p3 =	sgt.u32 s26, $0x6;
	s0 =	simm.s32 $0x1;
	s13 =	sshll.u32 s26, $0x13  }
0x41: {  	s0 =	simm.s32 @!p3 $0x0;
	p3 =	slt.u32 s26, $0x7;
	s29 =	sadd.s32 $0xFFCC0000, s13  }
0x42: {  	_ =	swait.ge [sflag:s18], $0x8000;
	s0 =	sor.u32 s0, s8;
	s29 =	smov.u32 @p3 s13  }
0x43: {  	[sflag:s18] =	ssyncset.done $0x0;
	s0 =	sshll.u32 s0, $0xC;
	s13 =	sadd.s32 s5, s29  }
0x44: {  	[sflag:s18] =	ssyncadd.s32 $0xFFFF8000;
	s29 =	simm.s32 $0x0;
	s0 =	sadd.s32 s0, s13  }
0x45: {  	[hbm4b:s0+s29] =	stream.linear.scatter [tilespmem:s17], [sflag:$0x5], $0x8000, $0x38;
	[tilespmem:$0x1EC60] =	vst v63  }
0x46: {  	_ =	swait.ge [sflag:s19], $0x1000  }
0x47: {  	[sflag:s19] =	ssyncset.done $0x0  }
0x48: {  	s30 =	simm.s32 $0x0;
	[sflag:s19] =	ssyncadd.s32 $0xFFFFF000  }
0x49: {  	s31 =	simm.s32 $0x40;
	v0 =	vld [tilespmem:s30+$0x1000]  }
.LBB2_10:
0x4a: {  	p3 =	sne.s32 s31, $0x3FC0  }
.Ltmp4:
0x4b: {  	_ = 	snop;
	(pc) =	sbr.rel @p3 .LBB2_10-.Ltmp4, $3  }
0x4c: {  	_ =	sdelay $0x1  }
0x4d: {  	[tilespmem:s30+$0x3008] =	vst v0;
	s30 =	sshra.s32 s31, $0x2;
	s31 =	sadd.s32 $0x40, s31  }
0x4e: {  	v0 =	vld [tilespmem:s30+$0x1000]  }
0x4f: {  	_ =	sdelay $0x3  }
0x50: {  	[tilespmem:s30+$0x3008] =	vst v0;
	s30 =	simm.s32 $0x3010  }
0x51: {  	s31 =	simm.s32 $0x20;
	v0 =	vld [tilespmem:s30+$0xFFFFFFF8]  }
.LBB2_12:
0x52: {  	p3 =	sne.s32 s31, $0x1FE0  }
0x53: {  	v1 =	vld [tilespmem:s30+$0x0];
	_ =	sdelay $0x2  }
.Ltmp5:
0x54: {  	v0 =	vmul.u32 $0xC8, v0;
	(pc) =	sbr.rel @p3 .LBB2_12-.Ltmp5, $4  }
0x55: {  	_ = 	snop  }
0x56: {  	s0 =	sshra.s32 s29, $0x2;
	s29 =	smov.u32 s31;
	v0 =	vadd.s32 v1, v0  }
0x57: {  	s30 =	sadd.s32 $0x10, s30;
	[tilespmem:s0+$0x4818] =	vst v0  }
0x58: {  	s31 =	sadd.s32 $0x20, s31;
	v0 =	vld [tilespmem:s30+$0xFFFFFFF8]  }
0x59: {  	s0 =	sadd.s32 @!p1 $0x3, s28  }
0x5a: {  	s13 =	smulhi.u32 @!p1 $0x4EC4EC4F, s0;
	_ =	sdelay $0x1  }
0x5b: {  	s13 =	sshrl.u32 @!p1 s13, $0x2  }
0x5c: {  	v1 =	vld [tilespmem:s30+$0x0];
	s31 =	smul.u32 @!p1 $0xD, s13;
	_ =	sdelay $0x1  }
0x5d: {  	s13 =	sadd.s32 @!p1 s8, s13;
	s0 =	ssub.s32 @!p1 s0, s31  }
0x5e: {  	v0 =	vmul.u32 $0xC8, v0;
	s13 =	smul.u32 @!p1 $0xC800, s13;
	s0 =	sshll.u32 @!p1 s0, $0x4  }
0x5f: {  	s0 =	smin.u32 @!p1 s0, $0xB8  }
0x60: {  	s30 =	sshra.s32 s29, $0x2;
	v0 =	vadd.s32 v1, v0;
	s0 =	sor.u32 @!p1 s0, s13  }
0x61: {  	s31 =	simm.s32 @!p1 $0x1000;
	[tilespmem:s30+$0x4818] =	vst v0;
	s30 =	simm.s32 @!p1 $0xC8;
	s0 =	sshrl.u32 @!p1 s0, $0x3  }
0x62: {  	s13 =	sor.u32 $0x1, s28;
	s28 =	simm.s32 @!p1 $0x10;
	s0 =	sadd.s32 @!p1 s3, s0  }
0x63: {  	[tilespmem:s31], [sflag:$0x2] =	stream.strided.gather @!p1 [hbm4b:s0+s28], $0x1000, s30, s28, $0x38;
	[tilespmem:$0x1EC60] =	vst v63  }
0x64: {  	s29 =	smulhi.u32 $0x4EC4EC4F, s13;
	s28 =	simm.s32 @!p2 $0x6  }
0x65: {  	_ =	swait.ge @!p2 [sflag:s28], $0x8000  }
0x66: {  	s26 =	sadd.s32 $0x1, s26;
	s31 =	sshrl.u32 s29, $0x2;
	[sflag:s28] =	ssyncset.done @!p2 $0x0  }
0x67: {  	p1 =	sne.s32 s26, $0xD;
	s29 =	smul.u32 $0xD, s31;
	[sflag:s28] =	ssyncadd.s32 @!p2 $0xFFFF8000  }
0x68: {  	[tilespmem:s21], [sflag:$0x4] =	stream.indirect.gather [spmem:s1], $0x10, s20, s15, $0xb8;
	[tilespmem:$0x1EC60] =	vst v63  }
.Ltmp6:
0x69: {  	s13 =	ssub.s32 s13, s29;
	(pc) =	sbr.rel @p1 .LBB2_2-.Ltmp6, $4  }
0x6a: {  	s0 =	sadd.s32 s8, s31;
	s13 =	sshll.u32 s13, $0x12;
	_ =	swait.ge [sflag:s22], $0x8000  }
0x6b: {  	s0 =	sshll.u32 s0, $0xC;
	s13 =	sadd.s32 s5, s13;
	[sflag:s22] =	ssyncset.done $0x0  }
0x6c: {  	s0 =	sadd.s32 s0, s13;
	[sflag:s22] =	ssyncadd.s32 $0xFFFF8000  }
0x6d: {  	[hbm4b:s0+s2] =	stream.linear.scatter [tilespmem:s21], [sflag:$0x6], $0x8000, $0x38;
	[tilespmem:$0x1EC60] =	vst v63  }
0x6e: {  	s25 =	sadd.s32 $0x1, s25  }
0x6f: {  	_ =	swait.ge [sflag:s23], $0x8000;
	p1 =	sne.s32 s25, s9  }
.Ltmp7:
0x70: {  	[sflag:s23] =	ssyncset.done $0x0;
	(pc) =	sbr.rel @p1 .LBB2_1-.Ltmp7, $4  }
0x71: {  	[sflag:s23] =	ssyncadd.s32 $0xFFFF8000  }
0x72: {  	_ =	swait.ge [sflag:s24], $0x8000  }
0x73: {  	[sflag:s24] =	ssyncset.done $0x0  }
0x74: {  	[sflag:s24] =	ssyncadd.s32 $0xFFFF8000  }
0x75: {  	_ =	sfence.sel $0x180000  }
0x76: {  	[bflag:$0x0] =	sbarrier.arrive $0xFFFF  }
0x77: {  	_ =	strace $0x90000047  }
0x78: {  	[bflag:$0x2] =	sbarrier.arrive $0xFFFF  }
0x79: {  	s0 =	rddreg [dreg:$0x2]  }
0x7a: {  	s0 =	sadd.s32 @!p0 $0x100000, s0  }
0x7b: {  	[sflag:s0] =	ssyncadd.tile.s32 @!p0 $0x1;
	_ =	shalt  }
.Lfunc_end2:
_tile_overlayer_lowered:
.L_overlay_start_2:
0x7c: {  	(tag) =	ssettag $0x2  }
0x7d: {  	s0 =	rddreg [dreg:$0x0];
	s2 =	stileid.u32  }
0x7e: {  	s1 =	rddreg [dreg:$0x1];
	p0 =	sne.s32 s2, $0x0  }
0x7f: {  	s3 =	rddreg [dreg:$0x2];
	[bflag:$0x3] =	sbarrier.arrive $0xFFFF;
	s2 =	simm.s32 @!p0 $0x1C07  }
0x80: {  	[timem:s3], [sflag:s2] =	dma.local @!p0 [hbm:s0], s1  }
0x81: {  	s0 =	simm.s32 @!p0 $0x7  }
0x82: {  	_ =	swait.ge @!p0 [sflag:s0], s1  }
0x83: {  	s1 =	ssub.s32 @!p0 $0x0, s1;
	[sflag:s0] =	ssyncset.done @!p0 $0x0  }
0x84: {  	[sflag:s0] =	ssyncadd.s32 @!p0 s1  }
0x85: {  	[bflag:$0x3] =	sbarrier.arrive $0xFFFF  }
0x86: {  	_ =	shalt  }

</sc_bundles>
